<compile_context>
chip_gen: v7x
topology: tpu7x:2x2x1
jax: 0.10.2.dev20260603
libtpu: 0.0.44.dev20260713+nightly
codegen_flags: <defaults>
</compile_context>

<pallas_src>
import functools
import math

import numpy as np
import jax
import jax.numpy as jnp
from jax import lax
from jax.experimental import pallas as pl
from jax.experimental.pallas import tpu as pltpu
from jax.experimental.pallas import tpu_sc as plsc

_N = 10000
_D_IN = 128
_FEAT = 16
_E = 320000
_ACT = 4096
_HID = 256
_T = 3
_TEMB = 16
_MAX_ACTION = 20.0

_NPAD = 10240
_NW = 32
_ECHUNK = 2000
_EPW_ROWS = 5
_SLICE = _NPAD // 16

_i = np.arange(1, _T + 1, dtype=np.float64)
_BETAS = 1.0 - np.exp(-0.1 / _T - 0.5 * (10.0 - 0.1) * (2.0 * _i - 1.0) / (_T ** 2))
_ALPHAS = 1.0 - _BETAS
_ACP = np.cumprod(_ALPHAS)

_SB = np.sqrt(1.0 - _ACP)
_ISA = 1.0 / np.sqrt(_ACP)
_ACP_PREV = np.concatenate([[1.0], _ACP[:-1]])
_C1 = _BETAS * np.sqrt(_ACP_PREV) / (1.0 - _ACP)
_C2 = (1.0 - _ACP_PREV) * np.sqrt(_ALPHAS) / (1.0 - _ACP)
_SIG = np.sqrt(_BETAS * (1.0 - _ACP_PREV) / (1.0 - _ACP))

_half = _TEMB // 2
_freqs = np.exp(-math.log(10000.0) * np.arange(_half, dtype=np.float64) / _half)
_TE = np.concatenate(
    [np.sin(np.arange(_T)[:, None] * _freqs[None, :]),
     np.cos(np.arange(_T)[:, None] * _freqs[None, :])], axis=1
).astype(np.float32)

def _sc_deg_body(edge_hbm, out_hbm, idx_v, ones_v, zb_v, shared_deg, isem):
    cid = lax.axis_index("c")
    sid = lax.axis_index("s")
    wid = cid * 16 + sid

    idescs = [
        pltpu.async_copy(
            edge_hbm.at[1, pl.ds((wid * _EPW_ROWS + j) * _ECHUNK, _ECHUNK)],
            idx_v.at[j], isem)
        for j in range(_EPW_ROWS)
    ]

    def z16(i, carry):
        zb_v[pl.ds(i * 16, 16)] = jnp.zeros((16,), jnp.float32)
        return carry
    lax.fori_loop(0, _SLICE // 16, z16, 0)

    def o16(i, carry):
        ones_v[pl.ds(i * 16, 16)] = jnp.full((16,), 1.0, jnp.float32)
        return carry
    lax.fori_loop(0, _ECHUNK // 16, o16, 0)
    ones_v[pl.ds(_ECHUNK - 16, 16)] = jnp.full((16,), 1.0, jnp.float32)

    pltpu.sync_copy(zb_v, shared_deg.at[pl.ds(sid * _SLICE, _SLICE)])
    for d in idescs:
        d.wait()
    plsc.subcore_barrier()

    def chunk(j, carry):
        pltpu.sync_copy(ones_v, shared_deg.at[idx_v.at[j]], add=True)
        return carry
    lax.fori_loop(0, _EPW_ROWS, chunk, 0)
    plsc.subcore_barrier()
    pltpu.sync_copy(shared_deg.at[pl.ds(sid * _SLICE, _SLICE)],
                    out_hbm.at[cid, pl.ds(sid * _SLICE, _SLICE)])


@functools.lru_cache(maxsize=None)
def _get_deg_call():
    mesh = plsc.VectorSubcoreMesh(
        core_axis_name="c", subcore_axis_name="s", num_cores=2, num_subcores=16)
    return pl.kernel(
        _sc_deg_body,
        out_type=jax.ShapeDtypeStruct((2, _NPAD), jnp.float32),
        mesh=mesh,
        compiler_params=pltpu.CompilerParams(use_tc_tiling_on_sc=False),
        scratch_types=[
            pltpu.VMEM((_EPW_ROWS, _ECHUNK), jnp.int32),
            pltpu.VMEM((_ECHUNK,), jnp.float32),
            pltpu.VMEM((_SLICE,), jnp.float32),
            pltpu.VMEM_SHARED((_NPAD,), jnp.float32),
            pltpu.SemaphoreType.DMA,
        ],
    )


def _sc_msg_body(edge_hbm, proj_hbm, out_hbm,
                 sidx_v, didx_v, rows0, rows1, zb_v, shared_agg,
                 isem, gsem0, gsem1):
    cid = lax.axis_index("c")
    sid = lax.axis_index("s")
    wid = cid * 16 + sid

    idescs = [
        pltpu.async_copy(
            edge_hbm.at[e, pl.ds((wid * _EPW_ROWS + j) * _ECHUNK, _ECHUNK)],
            (sidx_v if e == 0 else didx_v).at[j], isem)
        for e in (0, 1) for j in range(_EPW_ROWS)
    ]

    def z1(i, carry):
        zb_v[i] = jnp.zeros((16,), jnp.float32)
        return carry
    lax.fori_loop(0, _SLICE, z1, 0)

    pltpu.sync_copy(zb_v, shared_agg.at[pl.ds(sid * _SLICE, _SLICE)])
    for d in idescs:
        d.wait()
    plsc.subcore_barrier()

    rows = (rows0, rows1)
    gsems = (gsem0, gsem1)
    descs = [None, None]
    descs[0] = pltpu.async_copy(proj_hbm.at[sidx_v.at[0]], rows0, gsem0)
    for j in range(_EPW_ROWS):
        b = j % 2
        descs[b].wait()
        if j + 1 < _EPW_ROWS:
            nb = (j + 1) % 2
            descs[nb] = pltpu.async_copy(
                proj_hbm.at[sidx_v.at[j + 1]], rows[nb], gsems[nb])
        pltpu.sync_copy(rows[b], shared_agg.at[didx_v.at[j]], add=True)
    plsc.subcore_barrier()
    pltpu.sync_copy(shared_agg.at[pl.ds(sid * _SLICE, _SLICE)],
                    out_hbm.at[cid, pl.ds(sid * _SLICE, _SLICE)])


@functools.lru_cache(maxsize=None)
def _get_msg_call():
    mesh = plsc.VectorSubcoreMesh(
        core_axis_name="c", subcore_axis_name="s", num_cores=2, num_subcores=16)
    return pl.kernel(
        _sc_msg_body,
        out_type=jax.ShapeDtypeStruct((2, _NPAD, _FEAT), jnp.float32),
        mesh=mesh,
        compiler_params=pltpu.CompilerParams(use_tc_tiling_on_sc=False),
        scratch_types=[
            pltpu.VMEM((_EPW_ROWS, _ECHUNK), jnp.int32),
            pltpu.VMEM((_EPW_ROWS, _ECHUNK), jnp.int32),
            pltpu.VMEM((_ECHUNK, _FEAT), jnp.float32),
            pltpu.VMEM((_ECHUNK, _FEAT), jnp.float32),
            pltpu.VMEM((_SLICE, _FEAT), jnp.float32),
            pltpu.VMEM_SHARED((_NPAD, _FEAT), jnp.float32),
            pltpu.SemaphoreType.DMA,
            pltpu.SemaphoreType.DMA,
            pltpu.SemaphoreType.DMA,
        ],
    )


_RB = 2048


def _praw_body(f_ref, wg_ref, out_ref):
    out_ref[...] = jnp.dot(f_ref[...], wg_ref[...],
                           preferred_element_type=jnp.float32)


_praw_call = pl.pallas_call(
    _praw_body,
    in_specs=[
        pl.BlockSpec(memory_space=pltpu.VMEM),
        pl.BlockSpec(memory_space=pltpu.VMEM),
    ],
    out_specs=pl.BlockSpec(memory_space=pltpu.VMEM),
    out_shape=jax.ShapeDtypeStruct((_N, _FEAT), jnp.float32),
)


def _pscale_body(deg_ref, p_ref, out_ref):
    dv = deg_ref[...]
    isd = lax.rsqrt(jnp.maximum(dv[0:1, :_N] + dv[1:2, :_N], 1.0))
    isd_c = jnp.transpose(isd, (1, 0))
    out_ref[...] = p_ref[...] * isd_c


_pscale_call = pl.pallas_call(
    _pscale_body,
    in_specs=[
        pl.BlockSpec(memory_space=pltpu.VMEM),
        pl.BlockSpec(memory_space=pltpu.VMEM),
    ],
    out_specs=pl.BlockSpec(memory_space=pltpu.VMEM),
    out_shape=jax.ShapeDtypeStruct((_N, _FEAT), jnp.float32),
)


def _emb_body(agg_ref, deg_ref, bg_ref, out_ref):
    av = agg_ref[...]
    s = av[0, :_N] + av[1, :_N]
    dv = deg_ref[...]
    isd = lax.rsqrt(jnp.maximum(dv[0:1, :_N] + dv[1:2, :_N], 1.0))
    isd_c = jnp.transpose(isd, (1, 0))
    out_ref[...] = jnp.maximum(s * isd_c + bg_ref[...], 0.0)


_emb_call = pl.pallas_call(
    _emb_body,
    in_specs=[
        pl.BlockSpec(memory_space=pltpu.VMEM),
        pl.BlockSpec(memory_space=pltpu.VMEM),
        pl.BlockSpec(memory_space=pltpu.VMEM),
    ],
    out_specs=pl.BlockSpec(memory_space=pltpu.VMEM),
    out_shape=jax.ShapeDtypeStruct((_N, _FEAT), jnp.float32),
)


_KB = 8000
_NKB = (_N * _FEAT) // _KB
_W1S_OFF = _ACT + _TEMB


def _head_body(state_ref, b1_ref, w2_ref, b2_ref, w3_ref, b3_ref, te_ref,
               xi_ref, nz_ref, w1_hbm, out_ref, wb0, wb1, wbm,
               sem0, sem1, semm):
    cm = pltpu.make_async_copy(w1_hbm.at[pl.ds(0, _W1S_OFF), :], wbm, semm)
    cm.start()
    wbs = (wb0, wb1)
    sems = (sem0, sem1)

    def cp(k, b):
        return pltpu.make_async_copy(
            w1_hbm.at[pl.ds(_W1S_OFF + k * _KB, _KB), :], wbs[b], sems[b])

    cp(0, 0).start()
    acc = jnp.zeros((1, _HID), jnp.float32)
    for k in range(_NKB):
        if k + 1 < _NKB:
            cp(k + 1, (k + 1) % 2).start()
        cp(k, k % 2).wait()
        acc = acc + jnp.dot(state_ref[:, pl.ds(k * _KB, _KB)],
                            wbs[k % 2][...],
                            preferred_element_type=jnp.float32)
    cm.wait()
    wb = wbm
    base = acc + b1_ref[...]
    te_v = te_ref[...]
    x = xi_ref[...]
    w1te = wb[pl.ds(_ACT, _TEMB), :]
    for t in (2, 1, 0):
        tp = jnp.dot(te_v[t:t + 1, :], w1te, preferred_element_type=jnp.float32)
        h = jnp.dot(x, wb[pl.ds(0, _ACT), :], preferred_element_type=jnp.float32)
        h = jnp.maximum(h + tp + base, 0.0)
        h = jnp.maximum(
            jnp.dot(h, w2_ref[...], preferred_element_type=jnp.float32)
            + b2_ref[...], 0.0)
        eps = jnp.dot(h, w3_ref[...], preferred_element_type=jnp.float32) + b3_ref[...]
        x0 = jnp.clip((x - float(_SB[t]) * eps) * float(_ISA[t]),
                      -_MAX_ACTION, _MAX_ACTION)
        x = float(_C1[t]) * x0 + float(_C2[t]) * x
        if t > 0:
            x = x + float(_SIG[t]) * nz_ref[2 - t:3 - t, :]
    out_ref[...] = x


_head_call = pl.pallas_call(
    _head_body,
    in_specs=[
        pl.BlockSpec(memory_space=pltpu.VMEM),
        pl.BlockSpec(memory_space=pltpu.VMEM),
        pl.BlockSpec(memory_space=pltpu.VMEM),
        pl.BlockSpec(memory_space=pltpu.VMEM),
        pl.BlockSpec(memory_space=pltpu.VMEM),
        pl.BlockSpec(memory_space=pltpu.VMEM),
        pl.BlockSpec(memory_space=pltpu.VMEM),
        pl.BlockSpec(memory_space=pltpu.VMEM),
        pl.BlockSpec(memory_space=pltpu.VMEM),
        pl.BlockSpec(memory_space=pl.ANY),
    ],
    out_specs=pl.BlockSpec(memory_space=pltpu.VMEM),
    out_shape=jax.ShapeDtypeStruct((1, _ACT), jnp.float32),
    scratch_shapes=[
        pltpu.VMEM((_KB, _HID), jnp.float32),
        pltpu.VMEM((_KB, _HID), jnp.float32),
        pltpu.VMEM((_W1S_OFF, _HID), jnp.float32),
        pltpu.SemaphoreType.DMA,
        pltpu.SemaphoreType.DMA,
        pltpu.SemaphoreType.DMA,
    ],
)


def kernel(feature_matrix, edge_index, Wg, bg, W1, b1, W2, b2, W3, b3):
    praw = _praw_call(feature_matrix, Wg)
    deg_p = _get_deg_call()(edge_index)
    proj = _pscale_call(deg_p, praw)
    agg_p = _get_msg_call()(edge_index, proj)
    emb = _emb_call(agg_p, deg_p, bg.reshape(1, _FEAT))
    state = emb.reshape(1, _N * _FEAT)

    xi = jax.random.normal(jax.random.key(42), (1, _ACT), dtype=jnp.float32)
    n2 = jax.random.normal(jax.random.fold_in(jax.random.key(7), 2),
                           (1, _ACT), dtype=jnp.float32)
    n1 = jax.random.normal(jax.random.fold_in(jax.random.key(7), 1),
                           (1, _ACT), dtype=jnp.float32)
    noise = jnp.concatenate([n2, n1], axis=0)
    te = jnp.asarray(_TE)

    logits = _head_call(state, b1.reshape(1, _HID), W2, b2.reshape(1, _HID),
                        W3, b3.reshape(1, _ACT), te, xi, noise, W1)
    return logits

# --- scband reference (transcript-rebuilt; emitter-appended) ---
"""Pipeline reference for scband-gcncategorical-actor-20066087207118 (READ-ONLY COPY).

The authoritative reference and input builder live on the scoring server;
editing this copy changes nothing except your own understanding.
"""

import jax, jax.numpy as jnp
import numpy as np

N = 10000
D_IN = 128
FEAT = 16
E = 320000
ACT = 4096
HID = 256
T = 3
TEMB = 16
MAX_ACTION = 20.0
STATE_DIM = N * FEAT


def setup_inputs(seed: int = 0):
    key = jax.random.key(seed)
    ks = jax.random.split(key, 12)
    feature_matrix = jax.random.normal(ks[0], (N, D_IN), dtype=jnp.float32)
    edge_index = jax.random.randint(ks[1], (2, E), 0, N, dtype=jnp.int32)
    # GCN weights
    Wg = 0.05 * jax.random.normal(ks[2], (D_IN, FEAT), dtype=jnp.float32)
    bg = jnp.zeros((FEAT,), dtype=jnp.float32)
    # Diffusion noise-prediction MLP weights: input = [x_t, t_emb, state]
    in_dim = ACT + TEMB + STATE_DIM
    W1 = 0.02 * jax.random.normal(ks[3], (in_dim, HID), dtype=jnp.float32)
    b1 = jnp.zeros((HID,), dtype=jnp.float32)
    W2 = 0.02 * jax.random.normal(ks[4], (HID, HID), dtype=jnp.float32)
    b2 = jnp.zeros((HID,), dtype=jnp.float32)
    W3 = 0.02 * jax.random.normal(ks[5], (HID, ACT), dtype=jnp.float32)
    b3 = jnp.zeros((ACT,), dtype=jnp.float32)
    return {"feature_matrix": feature_matrix, "edge_index": edge_index,
            "Wg": Wg, "bg": bg, "W1": W1, "b1": b1, "W2": W2, "b2": b2,
            "W3": W3, "b3": b3}


def _time_emb(t):
    half = TEMB // 2
    freqs = jnp.exp(-jnp.log(10000.0) * jnp.arange(half, dtype=jnp.float32) / half)
    ang = t * freqs
    return jnp.concatenate([jnp.sin(ang), jnp.cos(ang)])[None, :]


def _vp_schedule():
    i = jnp.arange(1, T + 1, dtype=jnp.float32)
    beta_min, beta_max = 0.1, 10.0
    betas = 1.0 - jnp.exp(-beta_min / T - 0.5 * (beta_max - beta_min) * (2.0 * i - 1.0) / (T ** 2))
    alphas = 1.0 - betas
    acp = jnp.cumprod(alphas)
    return betas, alphas, acp


def reference(feature_matrix, edge_index, Wg, bg, W1, b1, W2, b2, W3, b3):
    src = edge_index[0]
    dst = edge_index[1]
    # GCN layer: symmetric-normalized neighborhood aggregation (gather + scatter-add)
    deg = jnp.zeros((N,), dtype=jnp.float32).at[dst].add(1.0)
    inv_sqrt_deg = 1.0 / jnp.sqrt(jnp.maximum(deg, 1.0))
    coef = inv_sqrt_deg[src] * inv_sqrt_deg[dst]
    msg = feature_matrix[src] * coef[:, None]
    agg = jnp.zeros((N, D_IN), dtype=jnp.float32).at[dst].add(msg)
    node_emb = jax.nn.relu(agg @ Wg + bg)
    state = node_emb.reshape(1, STATE_DIM)

    betas, alphas, acp = _vp_schedule()

    def eps_model(x, t):
        te = _time_emb(jnp.float32(t))
        inp = jnp.concatenate([x, te, state], axis=-1)
        h = jax.nn.relu(inp @ W1 + b1)
        h = jax.nn.relu(h @ W2 + b2)
        return h @ W3 + b3

    # reverse diffusion sampling (n_timesteps=3, vp schedule, max_action=20)
    x = jax.random.normal(jax.random.key(42), (1, ACT), dtype=jnp.float32)
    for t in reversed(range(T)):
        eps = eps_model(x, t)
        x0 = (x - jnp.sqrt(1.0 - acp[t]) * eps) / jnp.sqrt(acp[t])
        x0 = jnp.clip(x0, -MAX_ACTION, MAX_ACTION)
        acp_prev = acp[t - 1] if t > 0 else jnp.float32(1.0)
        coef1 = betas[t] * jnp.sqrt(acp_prev) / (1.0 - acp[t])
        coef2 = (1.0 - acp_prev) * jnp.sqrt(alphas[t]) / (1.0 - acp[t])
        mean = coef1 * x0 + coef2 * x
        if t > 0:
            var = betas[t] * (1.0 - acp_prev) / (1.0 - acp[t])
            noise = jax.random.normal(jax.random.fold_in(jax.random.key(7), t), (1, ACT), dtype=jnp.float32)
            x = mean + jnp.sqrt(var) * noise
        else:
            x = mean
    logits = x  # Categorical(logits=logits)
    return logits

if __name__ == "__main__":
    import jax
    _d = setup_inputs()
    print(jax.jit(kernel)(*tuple(_d.values())))

</pallas_src>

<mosaic_0001>
#map = affine_map<(d0, d1) -> (0, 0)>
module attributes {stable_mosaic.version = 14 : i64} {
  func.func @_sc_deg_body(%arg0: i32, %arg1: i32, %arg2: memref<2x320000xi32, #tpu.memory_space<hbm>>, %arg3: memref<2x10240xf32, #tpu.memory_space<hbm>>, %arg4: memref<5x2000xi32, #tpu.memory_space<vmem>>, %arg5: memref<2000xf32, #tpu.memory_space<vmem>>, %arg6: memref<640xf32, #tpu.memory_space<vmem>>, %arg7: memref<10240xf32, #tpu.memory_space<vmem_shared>>, %arg8: memref<!tpu.dma_semaphore, #tpu.memory_space<semaphore_mem>>) attributes {dimension_semantics = [#tpu.dimension_semantics<core_parallel>, #tpu.dimension_semantics<subcore_parallel>], iteration_bounds = array<i64: 2, 16>, scalar_prefetch = 0 : i64, scratch_operands = 5 : i64, tpu.core_type = #tpu.core_type<sc_vector_subcore>, window_params = [{transform_indices = #map}, {transform_indices = #map}]} {
    %mul3A = arith.constant 16 : i32
    %mul3A_0 = arith.muli %arg0, %mul3A : i32
    %add3A = arith.addi %mul3A_0, %arg1 : i32
    %mul3A_1 = arith.constant 5 : i32
    %mul3A_2 = arith.muli %add3A, %mul3A_1 : i32
    %add3A_3 = arith.constant 0 : i32
    %add3A_4 = arith.addi %mul3A_2, %add3A_3 : i32
    %mul3A_5 = arith.constant 2000 : i32
    %mul3A_6 = arith.muli %add3A_4, %mul3A_5 : i32
    %dma_start3A = arith.constant 1 : i32
    %dma_start3A_7 = arith.constant 0 : i32
    %dma_start3A_8 = arith.constant 0 : i32
    %dma_start3A_9 = tpu.memref_slice %arg4[%dma_start3A_7, %dma_start3A_8] : memref<5x2000xi32, #tpu.memory_space<vmem>> -> memref<1x2000xi32, #tpu.memory_space<vmem>>
    %dma_start3A_10 = tpu.memref_squeeze %dma_start3A_9 : memref<1x2000xi32, #tpu.memory_space<vmem>> -> memref<2000xi32, #tpu.memory_space<vmem>>
    %dma_start3A_11 = tpu.memref_slice %arg2[%dma_start3A, %mul3A_6] : memref<2x320000xi32, #tpu.memory_space<hbm>> -> memref<1x2000xi32, #tpu.memory_space<hbm>>
    %dma_start3A_12 = tpu.memref_squeeze %dma_start3A_11 : memref<1x2000xi32, #tpu.memory_space<hbm>> -> memref<2000xi32, #tpu.memory_space<hbm>>
    %dma_start3A_13 = arith.constant 0 : i32
    %dma_start3A_14 = tpu.memref_slice %arg4[%dma_start3A_7, %dma_start3A_13] : memref<5x2000xi32, #tpu.memory_space<vmem>> -> memref<1x2000xi32, #tpu.memory_space<vmem>>
    %dma_start3A_15 = tpu.memref_squeeze %dma_start3A_14 : memref<1x2000xi32, #tpu.memory_space<vmem>> -> memref<2000xi32, #tpu.memory_space<vmem>>
    %dma_start3A_16 = tpu.memref_slice %arg2[%dma_start3A, %mul3A_6] : memref<2x320000xi32, #tpu.memory_space<hbm>> -> memref<1x2000xi32, #tpu.memory_space<hbm>>
    %dma_start3A_17 = tpu.memref_squeeze %dma_start3A_16 : memref<1x2000xi32, #tpu.memory_space<hbm>> -> memref<2000xi32, #tpu.memory_space<hbm>>
    tpu.enqueue_dma source(%dma_start3A_17 : memref<2000xi32, #tpu.memory_space<hbm>>) target(%dma_start3A_15 : memref<2000xi32, #tpu.memory_space<vmem>>) target_semaphore(%arg8 : memref<!tpu.dma_semaphore, #tpu.memory_space<semaphore_mem>>)
    %mul3A_18 = arith.constant 5 : i32
    %mul3A_19 = arith.muli %add3A, %mul3A_18 : i32
    %add3A_20 = arith.constant 1 : i32
    %add3A_21 = arith.addi %mul3A_19, %add3A_20 : i32
    %mul3A_22 = arith.constant 2000 : i32
    %mul3A_23 = arith.muli %add3A_21, %mul3A_22 : i32
    %dma_start3A_24 = arith.constant 1 : i32
    %dma_start3A_25 = arith.constant 1 : i32
    %dma_start3A_26 = arith.constant 0 : i32
    %dma_start3A_27 = tpu.memref_slice %arg4[%dma_start3A_25, %dma_start3A_26] : memref<5x2000xi32, #tpu.memory_space<vmem>> -> memref<1x2000xi32, #tpu.memory_space<vmem>>
    %dma_start3A_28 = tpu.memref_squeeze %dma_start3A_27 : memref<1x2000xi32, #tpu.memory_space<vmem>> -> memref<2000xi32, #tpu.memory_space<vmem>>
    %dma_start3A_29 = tpu.memref_slice %arg2[%dma_start3A_24, %mul3A_23] : memref<2x320000xi32, #tpu.memory_space<hbm>> -> memref<1x2000xi32, #tpu.memory_space<hbm>>
    %dma_start3A_30 = tpu.memref_squeeze %dma_start3A_29 : memref<1x2000xi32, #tpu.memory_space<hbm>> -> memref<2000xi32, #tpu.memory_space<hbm>>
    %dma_start3A_31 = arith.constant 0 : i32
    %dma_start3A_32 = tpu.memref_slice %arg4[%dma_start3A_25, %dma_start3A_31] : memref<5x2000xi32, #tpu.memory_space<vmem>> -> memref<1x2000xi32, #tpu.memory_space<vmem>>
    %dma_start3A_33 = tpu.memref_squeeze %dma_start3A_32 : memref<1x2000xi32, #tpu.memory_space<vmem>> -> memref<2000xi32, #tpu.memory_space<vmem>>
    %dma_start3A_34 = tpu.memref_slice %arg2[%dma_start3A_24, %mul3A_23] : memref<2x320000xi32, #tpu.memory_space<hbm>> -> memref<1x2000xi32, #tpu.memory_space<hbm>>
    %dma_start3A_35 = tpu.memref_squeeze %dma_start3A_34 : memref<1x2000xi32, #tpu.memory_space<hbm>> -> memref<2000xi32, #tpu.memory_space<hbm>>
    tpu.enqueue_dma source(%dma_start3A_35 : memref<2000xi32, #tpu.memory_space<hbm>>) target(%dma_start3A_33 : memref<2000xi32, #tpu.memory_space<vmem>>) target_semaphore(%arg8 : memref<!tpu.dma_semaphore, #tpu.memory_space<semaphore_mem>>)
    %mul3A_36 = arith.constant 5 : i32
    %mul3A_37 = arith.muli %add3A, %mul3A_36 : i32
    %add3A_38 = arith.constant 2 : i32
    %add3A_39 = arith.addi %mul3A_37, %add3A_38 : i32
    %mul3A_40 = arith.constant 2000 : i32
    %mul3A_41 = arith.muli %add3A_39, %mul3A_40 : i32
    %dma_start3A_42 = arith.constant 1 : i32
    %dma_start3A_43 = arith.constant 2 : i32
    %dma_start3A_44 = arith.constant 0 : i32
    %dma_start3A_45 = tpu.memref_slice %arg4[%dma_start3A_43, %dma_start3A_44] : memref<5x2000xi32, #tpu.memory_space<vmem>> -> memref<1x2000xi32, #tpu.memory_space<vmem>>
    %dma_start3A_46 = tpu.memref_squeeze %dma_start3A_45 : memref<1x2000xi32, #tpu.memory_space<vmem>> -> memref<2000xi32, #tpu.memory_space<vmem>>
    %dma_start3A_47 = tpu.memref_slice %arg2[%dma_start3A_42, %mul3A_41] : memref<2x320000xi32, #tpu.memory_space<hbm>> -> memref<1x2000xi32, #tpu.memory_space<hbm>>
    %dma_start3A_48 = tpu.memref_squeeze %dma_start3A_47 : memref<1x2000xi32, #tpu.memory_space<hbm>> -> memref<2000xi32, #tpu.memory_space<hbm>>
    %dma_start3A_49 = arith.constant 0 : i32
    %dma_start3A_50 = tpu.memref_slice %arg4[%dma_start3A_43, %dma_start3A_49] : memref<5x2000xi32, #tpu.memory_space<vmem>> -> memref<1x2000xi32, #tpu.memory_space<vmem>>
    %dma_start3A_51 = tpu.memref_squeeze %dma_start3A_50 : memref<1x2000xi32, #tpu.memory_space<vmem>> -> memref<2000xi32, #tpu.memory_space<vmem>>
    %dma_start3A_52 = tpu.memref_slice %arg2[%dma_start3A_42, %mul3A_41] : memref<2x320000xi32, #tpu.memory_space<hbm>> -> memref<1x2000xi32, #tpu.memory_space<hbm>>
    %dma_start3A_53 = tpu.memref_squeeze %dma_start3A_52 : memref<1x2000xi32, #tpu.memory_space<hbm>> -> memref<2000xi32, #tpu.memory_space<hbm>>
    tpu.enqueue_dma source(%dma_start3A_53 : memref<2000xi32, #tpu.memory_space<hbm>>) target(%dma_start3A_51 : memref<2000xi32, #tpu.memory_space<vmem>>) target_semaphore(%arg8 : memref<!tpu.dma_semaphore, #tpu.memory_space<semaphore_mem>>)
    %mul3A_54 = arith.constant 5 : i32
    %mul3A_55 = arith.muli %add3A, %mul3A_54 : i32
    %add3A_56 = arith.constant 3 : i32
    %add3A_57 = arith.addi %mul3A_55, %add3A_56 : i32
    %mul3A_58 = arith.constant 2000 : i32
    %mul3A_59 = arith.muli %add3A_57, %mul3A_58 : i32
    %dma_start3A_60 = arith.constant 1 : i32
    %dma_start3A_61 = arith.constant 3 : i32
    %dma_start3A_62 = arith.constant 0 : i32
    %dma_start3A_63 = tpu.memref_slice %arg4[%dma_start3A_61, %dma_start3A_62] : memref<5x2000xi32, #tpu.memory_space<vmem>> -> memref<1x2000xi32, #tpu.memory_space<vmem>>
    %dma_start3A_64 = tpu.memref_squeeze %dma_start3A_63 : memref<1x2000xi32, #tpu.memory_space<vmem>> -> memref<2000xi32, #tpu.memory_space<vmem>>
    %dma_start3A_65 = tpu.memref_slice %arg2[%dma_start3A_60, %mul3A_59] : memref<2x320000xi32, #tpu.memory_space<hbm>> -> memref<1x2000xi32, #tpu.memory_space<hbm>>
    %dma_start3A_66 = tpu.memref_squeeze %dma_start3A_65 : memref<1x2000xi32, #tpu.memory_space<hbm>> -> memref<2000xi32, #tpu.memory_space<hbm>>
    %dma_start3A_67 = arith.constant 0 : i32
    %dma_start3A_68 = tpu.memref_slice %arg4[%dma_start3A_61, %dma_start3A_67] : memref<5x2000xi32, #tpu.memory_space<vmem>> -> memref<1x2000xi32, #tpu.memory_space<vmem>>
    %dma_start3A_69 = tpu.memref_squeeze %dma_start3A_68 : memref<1x2000xi32, #tpu.memory_space<vmem>> -> memref<2000xi32, #tpu.memory_space<vmem>>
    %dma_start3A_70 = tpu.memref_slice %arg2[%dma_start3A_60, %mul3A_59] : memref<2x320000xi32, #tpu.memory_space<hbm>> -> memref<1x2000xi32, #tpu.memory_space<hbm>>
    %dma_start3A_71 = tpu.memref_squeeze %dma_start3A_70 : memref<1x2000xi32, #tpu.memory_space<hbm>> -> memref<2000xi32, #tpu.memory_space<hbm>>
    tpu.enqueue_dma source(%dma_start3A_71 : memref<2000xi32, #tpu.memory_space<hbm>>) target(%dma_start3A_69 : memref<2000xi32, #tpu.memory_space<vmem>>) target_semaphore(%arg8 : memref<!tpu.dma_semaphore, #tpu.memory_space<semaphore_mem>>)
    %mul3A_72 = arith.constant 5 : i32
    %mul3A_73 = arith.muli %add3A, %mul3A_72 : i32
    %add3A_74 = arith.constant 4 : i32
    %add3A_75 = arith.addi %mul3A_73, %add3A_74 : i32
    %mul3A_76 = arith.constant 2000 : i32
    %mul3A_77 = arith.muli %add3A_75, %mul3A_76 : i32
    %dma_start3A_78 = arith.constant 1 : i32
    %dma_start3A_79 = arith.constant 4 : i32
    %dma_start3A_80 = arith.constant 0 : i32
    %dma_start3A_81 = tpu.memref_slice %arg4[%dma_start3A_79, %dma_start3A_80] : memref<5x2000xi32, #tpu.memory_space<vmem>> -> memref<1x2000xi32, #tpu.memory_space<vmem>>
    %dma_start3A_82 = tpu.memref_squeeze %dma_start3A_81 : memref<1x2000xi32, #tpu.memory_space<vmem>> -> memref<2000xi32, #tpu.memory_space<vmem>>
    %dma_start3A_83 = tpu.memref_slice %arg2[%dma_start3A_78, %mul3A_77] : memref<2x320000xi32, #tpu.memory_space<hbm>> -> memref<1x2000xi32, #tpu.memory_space<hbm>>
    %dma_start3A_84 = tpu.memref_squeeze %dma_start3A_83 : memref<1x2000xi32, #tpu.memory_space<hbm>> -> memref<2000xi32, #tpu.memory_space<hbm>>
    %dma_start3A_85 = arith.constant 0 : i32
    %dma_start3A_86 = tpu.memref_slice %arg4[%dma_start3A_79, %dma_start3A_85] : memref<5x2000xi32, #tpu.memory_space<vmem>> -> memref<1x2000xi32, #tpu.memory_space<vmem>>
    %dma_start3A_87 = tpu.memref_squeeze %dma_start3A_86 : memref<1x2000xi32, #tpu.memory_space<vmem>> -> memref<2000xi32, #tpu.memory_space<vmem>>
    %dma_start3A_88 = tpu.memref_slice %arg2[%dma_start3A_78, %mul3A_77] : memref<2x320000xi32, #tpu.memory_space<hbm>> -> memref<1x2000xi32, #tpu.memory_space<hbm>>
    %dma_start3A_89 = tpu.memref_squeeze %dma_start3A_88 : memref<1x2000xi32, #tpu.memory_space<hbm>> -> memref<2000xi32, #tpu.memory_space<hbm>>
    tpu.enqueue_dma source(%dma_start3A_89 : memref<2000xi32, #tpu.memory_space<hbm>>) target(%dma_start3A_87 : memref<2000xi32, #tpu.memory_space<vmem>>) target_semaphore(%arg8 : memref<!tpu.dma_semaphore, #tpu.memory_space<semaphore_mem>>)
    %scan3A = arith.constant 0 : i32
    %scan3A_90 = arith.constant 0 : i32
    %scan3A_91 = arith.constant 40 : i32
    %scan3A_92 = arith.addi %scan3A_90, %scan3A_91 : i32
    %scan3A_93 = arith.constant 1 : i32
    scf.for %scan3A_177 = %scan3A_90 to %scan3A_92 step %scan3A_93  : i32 {
      %broadcast_in_dim3A_178 = arith.constant 0.000000e+00 : f32
      %broadcast_in_dim3A_179 = vector.broadcast %broadcast_in_dim3A_178 : f32 to vector<16xf32>
      %mul3A_180 = arith.constant 16 : i32
      %mul3A_181 = arith.muli %scan3A_177, %mul3A_180 : i32
      %swap3A_182 = arith.index_cast %mul3A_181 : i32 to index
      %swap3A_183 = tpu.vector_load %arg6[%swap3A_182] {strides = array<i32>} : memref<640xf32, #tpu.memory_space<vmem>>, vector<16xf32>,
      %swap3A_184 = vector.shape_cast %swap3A_183 : vector<16xf32> to vector<16xf32>
      %swap3A_185 = vector.shape_cast %broadcast_in_dim3A_179 : vector<16xf32> to vector<16xf32>
      tpu.vector_store %arg6[%swap3A_182], %swap3A_185 {strides = array<i32>} : memref<640xf32, #tpu.memory_space<vmem>>, vector<16xf32>,
    }
    %scan3A_94 = arith.constant 40 : i32
    %scan3A_95 = arith.constant 0 : i32
    %scan3A_96 = arith.constant 0 : i32
    %scan3A_97 = arith.constant 125 : i32
    %scan3A_98 = arith.addi %scan3A_96, %scan3A_97 : i32
    %scan3A_99 = arith.constant 1 : i32
    scf.for %scan3A_177 = %scan3A_96 to %scan3A_98 step %scan3A_99  : i32 {
      %broadcast_in_dim3A_178 = arith.constant 1.000000e+00 : f32
      %broadcast_in_dim3A_179 = vector.broadcast %broadcast_in_dim3A_178 : f32 to vector<16xf32>
      %mul3A_180 = arith.constant 16 : i32
      %mul3A_181 = arith.muli %scan3A_177, %mul3A_180 : i32
      %swap3A_182 = arith.index_cast %mul3A_181 : i32 to index
      %swap3A_183 = tpu.vector_load %arg5[%swap3A_182] {strides = array<i32>} : memref<2000xf32, #tpu.memory_space<vmem>>, vector<16xf32>,
      %swap3A_184 = vector.shape_cast %swap3A_183 : vector<16xf32> to vector<16xf32>
      %swap3A_185 = vector.shape_cast %broadcast_in_dim3A_179 : vector<16xf32> to vector<16xf32>
      tpu.vector_store %arg5[%swap3A_182], %swap3A_185 {strides = array<i32>} : memref<2000xf32, #tpu.memory_space<vmem>>, vector<16xf32>,
    }
    %scan3A_100 = arith.constant 125 : i32
    %broadcast_in_dim3A = arith.constant 1.000000e+00 : f32
    %broadcast_in_dim3A_101 = vector.broadcast %broadcast_in_dim3A : f32 to vector<16xf32>
    %swap3A = arith.constant 1984 : index
    %swap3A_102 = tpu.vector_load %arg5[%swap3A] {strides = array<i32>} : memref<2000xf32, #tpu.memory_space<vmem>>, vector<16xf32>,
    %swap3A_103 = vector.shape_cast %swap3A_102 : vector<16xf32> to vector<16xf32>
    %swap3A_104 = vector.shape_cast %broadcast_in_dim3A_101 : vector<16xf32> to vector<16xf32>
    tpu.vector_store %arg5[%swap3A], %swap3A_104 {strides = array<i32>} : memref<2000xf32, #tpu.memory_space<vmem>>, vector<16xf32>,
    %mul3A_105 = arith.constant 640 : i32
    %mul3A_106 = arith.muli %arg1, %mul3A_105 : i32
    "tpu.region"() ({
      %run_scoped3A = tpu.sem_alloc : memref<!tpu.dma_semaphore, #tpu.memory_space<semaphore_mem>>
      %dma_start3A_177 = tpu.memref_slice %arg7[%mul3A_106] : memref<10240xf32, #tpu.memory_space<vmem_shared>> -> memref<640xf32, #tpu.memory_space<vmem_shared>>
      %dma_start3A_178 = tpu.memref_slice %arg7[%mul3A_106] : memref<10240xf32, #tpu.memory_space<vmem_shared>> -> memref<640xf32, #tpu.memory_space<vmem_shared>>
      tpu.enqueue_dma source(%arg6 : memref<640xf32, #tpu.memory_space<vmem>>) target(%dma_start3A_178 : memref<640xf32, #tpu.memory_space<vmem_shared>>) target_semaphore(%run_scoped3A : memref<!tpu.dma_semaphore, #tpu.memory_space<semaphore_mem>>)
      %dma_wait3A_179 = tpu.memref_slice %arg7[%mul3A_106] : memref<10240xf32, #tpu.memory_space<vmem_shared>> -> memref<640xf32, #tpu.memory_space<vmem_shared>>
      %dma_wait3A_180 = tpu.memref_slice %arg7[%mul3A_106] : memref<10240xf32, #tpu.memory_space<vmem_shared>> -> memref<640xf32, #tpu.memory_space<vmem_shared>>
      tpu.wait_dma2 semaphore(%run_scoped3A : memref<!tpu.dma_semaphore, #tpu.memory_space<semaphore_mem>>) src(%arg6 : memref<640xf32, #tpu.memory_space<vmem>>) dst(%dma_wait3A_180 : memref<640xf32, #tpu.memory_space<vmem_shared>>)
      tpu.yield
    }) : () -> ()
    %dma_wait3A = arith.constant 1 : i32
    %dma_wait3A_107 = arith.constant 0 : i32
    %dma_wait3A_108 = arith.constant 0 : i32
    %dma_wait3A_109 = tpu.memref_slice %arg4[%dma_wait3A_107, %dma_wait3A_108] : memref<5x2000xi32, #tpu.memory_space<vmem>> -> memref<1x2000xi32, #tpu.memory_space<vmem>>
    %dma_wait3A_110 = tpu.memref_squeeze %dma_wait3A_109 : memref<1x2000xi32, #tpu.memory_space<vmem>> -> memref<2000xi32, #tpu.memory_space<vmem>>
    %dma_wait3A_111 = tpu.memref_slice %arg2[%dma_wait3A, %mul3A_6] : memref<2x320000xi32, #tpu.memory_space<hbm>> -> memref<1x2000xi32, #tpu.memory_space<hbm>>
    %dma_wait3A_112 = tpu.memref_squeeze %dma_wait3A_111 : memref<1x2000xi32, #tpu.memory_space<hbm>> -> memref<2000xi32, #tpu.memory_space<hbm>>
    %dma_wait3A_113 = arith.constant 0 : i32
    %dma_wait3A_114 = tpu.memref_slice %arg4[%dma_wait3A_107, %dma_wait3A_113] : memref<5x2000xi32, #tpu.memory_space<vmem>> -> memref<1x2000xi32, #tpu.memory_space<vmem>>
    %dma_wait3A_115 = tpu.memref_squeeze %dma_wait3A_114 : memref<1x2000xi32, #tpu.memory_space<vmem>> -> memref<2000xi32, #tpu.memory_space<vmem>>
    %dma_wait3A_116 = tpu.memref_slice %arg2[%dma_wait3A, %mul3A_6] : memref<2x320000xi32, #tpu.memory_space<hbm>> -> memref<1x2000xi32, #tpu.memory_space<hbm>>
    %dma_wait3A_117 = tpu.memref_squeeze %dma_wait3A_116 : memref<1x2000xi32, #tpu.memory_space<hbm>> -> memref<2000xi32, #tpu.memory_space<hbm>>
    tpu.wait_dma2 semaphore(%arg8 : memref<!tpu.dma_semaphore, #tpu.memory_space<semaphore_mem>>) src(%dma_wait3A_117 : memref<2000xi32, #tpu.memory_space<hbm>>) dst(%dma_wait3A_115 : memref<2000xi32, #tpu.memory_space<vmem>>)
    %dma_wait3A_118 = arith.constant 1 : i32
    %dma_wait3A_119 = arith.constant 1 : i32
    %dma_wait3A_120 = arith.constant 0 : i32
    %dma_wait3A_121 = tpu.memref_slice %arg4[%dma_wait3A_119, %dma_wait3A_120] : memref<5x2000xi32, #tpu.memory_space<vmem>> -> memref<1x2000xi32, #tpu.memory_space<vmem>>
    %dma_wait3A_122 = tpu.memref_squeeze %dma_wait3A_121 : memref<1x2000xi32, #tpu.memory_space<vmem>> -> memref<2000xi32, #tpu.memory_space<vmem>>
    %dma_wait3A_123 = tpu.memref_slice %arg2[%dma_wait3A_118, %mul3A_23] : memref<2x320000xi32, #tpu.memory_space<hbm>> -> memref<1x2000xi32, #tpu.memory_space<hbm>>
    %dma_wait3A_124 = tpu.memref_squeeze %dma_wait3A_123 : memref<1x2000xi32, #tpu.memory_space<hbm>> -> memref<2000xi32, #tpu.memory_space<hbm>>
    %dma_wait3A_125 = arith.constant 0 : i32
    %dma_wait3A_126 = tpu.memref_slice %arg4[%dma_wait3A_119, %dma_wait3A_125] : memref<5x2000xi32, #tpu.memory_space<vmem>> -> memref<1x2000xi32, #tpu.memory_space<vmem>>
    %dma_wait3A_127 = tpu.memref_squeeze %dma_wait3A_126 : memref<1x2000xi32, #tpu.memory_space<vmem>> -> memref<2000xi32, #tpu.memory_space<vmem>>
    %dma_wait3A_128 = tpu.memref_slice %arg2[%dma_wait3A_118, %mul3A_23] : memref<2x320000xi32, #tpu.memory_space<hbm>> -> memref<1x2000xi32, #tpu.memory_space<hbm>>
    %dma_wait3A_129 = tpu.memref_squeeze %dma_wait3A_128 : memref<1x2000xi32, #tpu.memory_space<hbm>> -> memref<2000xi32, #tpu.memory_space<hbm>>
    tpu.wait_dma2 semaphore(%arg8 : memref<!tpu.dma_semaphore, #tpu.memory_space<semaphore_mem>>) src(%dma_wait3A_129 : memref<2000xi32, #tpu.memory_space<hbm>>) dst(%dma_wait3A_127 : memref<2000xi32, #tpu.memory_space<vmem>>)
    %dma_wait3A_130 = arith.constant 1 : i32
    %dma_wait3A_131 = arith.constant 2 : i32
    %dma_wait3A_132 = arith.constant 0 : i32
    %dma_wait3A_133 = tpu.memref_slice %arg4[%dma_wait3A_131, %dma_wait3A_132] : memref<5x2000xi32, #tpu.memory_space<vmem>> -> memref<1x2000xi32, #tpu.memory_space<vmem>>
    %dma_wait3A_134 = tpu.memref_squeeze %dma_wait3A_133 : memref<1x2000xi32, #tpu.memory_space<vmem>> -> memref<2000xi32, #tpu.memory_space<vmem>>
    %dma_wait3A_135 = tpu.memref_slice %arg2[%dma_wait3A_130, %mul3A_41] : memref<2x320000xi32, #tpu.memory_space<hbm>> -> memref<1x2000xi32, #tpu.memory_space<hbm>>
    %dma_wait3A_136 = tpu.memref_squeeze %dma_wait3A_135 : memref<1x2000xi32, #tpu.memory_space<hbm>> -> memref<2000xi32, #tpu.memory_space<hbm>>
    %dma_wait3A_137 = arith.constant 0 : i32
    %dma_wait3A_138 = tpu.memref_slice %arg4[%dma_wait3A_131, %dma_wait3A_137] : memref<5x2000xi32, #tpu.memory_space<vmem>> -> memref<1x2000xi32, #tpu.memory_space<vmem>>
    %dma_wait3A_139 = tpu.memref_squeeze %dma_wait3A_138 : memref<1x2000xi32, #tpu.memory_space<vmem>> -> memref<2000xi32, #tpu.memory_space<vmem>>
    %dma_wait3A_140 = tpu.memref_slice %arg2[%dma_wait3A_130, %mul3A_41] : memref<2x320000xi32, #tpu.memory_space<hbm>> -> memref<1x2000xi32, #tpu.memory_space<hbm>>
    %dma_wait3A_141 = tpu.memref_squeeze %dma_wait3A_140 : memref<1x2000xi32, #tpu.memory_space<hbm>> -> memref<2000xi32, #tpu.memory_space<hbm>>
    tpu.wait_dma2 semaphore(%arg8 : memref<!tpu.dma_semaphore, #tpu.memory_space<semaphore_mem>>) src(%dma_wait3A_141 : memref<2000xi32, #tpu.memory_space<hbm>>) dst(%dma_wait3A_139 : memref<2000xi32, #tpu.memory_space<vmem>>)
    %dma_wait3A_142 = arith.constant 1 : i32
    %dma_wait3A_143 = arith.constant 3 : i32
    %dma_wait3A_144 = arith.constant 0 : i32
    %dma_wait3A_145 = tpu.memref_slice %arg4[%dma_wait3A_143, %dma_wait3A_144] : memref<5x2000xi32, #tpu.memory_space<vmem>> -> memref<1x2000xi32, #tpu.memory_space<vmem>>
    %dma_wait3A_146 = tpu.memref_squeeze %dma_wait3A_145 : memref<1x2000xi32, #tpu.memory_space<vmem>> -> memref<2000xi32, #tpu.memory_space<vmem>>
    %dma_wait3A_147 = tpu.memref_slice %arg2[%dma_wait3A_142, %mul3A_59] : memref<2x320000xi32, #tpu.memory_space<hbm>> -> memref<1x2000xi32, #tpu.memory_space<hbm>>
    %dma_wait3A_148 = tpu.memref_squeeze %dma_wait3A_147 : memref<1x2000xi32, #tpu.memory_space<hbm>> -> memref<2000xi32, #tpu.memory_space<hbm>>
    %dma_wait3A_149 = arith.constant 0 : i32
    %dma_wait3A_150 = tpu.memref_slice %arg4[%dma_wait3A_143, %dma_wait3A_149] : memref<5x2000xi32, #tpu.memory_space<vmem>> -> memref<1x2000xi32, #tpu.memory_space<vmem>>
    %dma_wait3A_151 = tpu.memref_squeeze %dma_wait3A_150 : memref<1x2000xi32, #tpu.memory_space<vmem>> -> memref<2000xi32, #tpu.memory_space<vmem>>
    %dma_wait3A_152 = tpu.memref_slice %arg2[%dma_wait3A_142, %mul3A_59] : memref<2x320000xi32, #tpu.memory_space<hbm>> -> memref<1x2000xi32, #tpu.memory_space<hbm>>
    %dma_wait3A_153 = tpu.memref_squeeze %dma_wait3A_152 : memref<1x2000xi32, #tpu.memory_space<hbm>> -> memref<2000xi32, #tpu.memory_space<hbm>>
    tpu.wait_dma2 semaphore(%arg8 : memref<!tpu.dma_semaphore, #tpu.memory_space<semaphore_mem>>) src(%dma_wait3A_153 : memref<2000xi32, #tpu.memory_space<hbm>>) dst(%dma_wait3A_151 : memref<2000xi32, #tpu.memory_space<vmem>>)
    %dma_wait3A_154 = arith.constant 1 : i32
    %dma_wait3A_155 = arith.constant 4 : i32
    %dma_wait3A_156 = arith.constant 0 : i32
    %dma_wait3A_157 = tpu.memref_slice %arg4[%dma_wait3A_155, %dma_wait3A_156] : memref<5x2000xi32, #tpu.memory_space<vmem>> -> memref<1x2000xi32, #tpu.memory_space<vmem>>
    %dma_wait3A_158 = tpu.memref_squeeze %dma_wait3A_157 : memref<1x2000xi32, #tpu.memory_space<vmem>> -> memref<2000xi32, #tpu.memory_space<vmem>>
    %dma_wait3A_159 = tpu.memref_slice %arg2[%dma_wait3A_154, %mul3A_77] : memref<2x320000xi32, #tpu.memory_space<hbm>> -> memref<1x2000xi32, #tpu.memory_space<hbm>>
    %dma_wait3A_160 = tpu.memref_squeeze %dma_wait3A_159 : memref<1x2000xi32, #tpu.memory_space<hbm>> -> memref<2000xi32, #tpu.memory_space<hbm>>
    %dma_wait3A_161 = arith.constant 0 : i32
    %dma_wait3A_162 = tpu.memref_slice %arg4[%dma_wait3A_155, %dma_wait3A_161] : memref<5x2000xi32, #tpu.memory_space<vmem>> -> memref<1x2000xi32, #tpu.memory_space<vmem>>
    %dma_wait3A_163 = tpu.memref_squeeze %dma_wait3A_162 : memref<1x2000xi32, #tpu.memory_space<vmem>> -> memref<2000xi32, #tpu.memory_space<vmem>>
    %dma_wait3A_164 = tpu.memref_slice %arg2[%dma_wait3A_154, %mul3A_77] : memref<2x320000xi32, #tpu.memory_space<hbm>> -> memref<1x2000xi32, #tpu.memory_space<hbm>>
    %dma_wait3A_165 = tpu.memref_squeeze %dma_wait3A_164 : memref<1x2000xi32, #tpu.memory_space<hbm>> -> memref<2000xi32, #tpu.memory_space<hbm>>
    tpu.wait_dma2 semaphore(%arg8 : memref<!tpu.dma_semaphore, #tpu.memory_space<semaphore_mem>>) src(%dma_wait3A_165 : memref<2000xi32, #tpu.memory_space<hbm>>) dst(%dma_wait3A_163 : memref<2000xi32, #tpu.memory_space<vmem>>)
    %barrier3A = arith.constant 0 : index
    tpu.barrier barrier_id(%barrier3A)
    %scan3A_166 = arith.constant 0 : i32
    %scan3A_167 = arith.constant 0 : i32
    %scan3A_168 = arith.constant 5 : i32
    %scan3A_169 = arith.addi %scan3A_167, %scan3A_168 : i32
    %scan3A_170 = arith.constant 1 : i32
    scf.for %scan3A_177 = %scan3A_167 to %scan3A_169 step %scan3A_170  : i32 {
      "tpu.region"() ({
        %run_scoped3A = tpu.sem_alloc : memref<!tpu.dma_semaphore, #tpu.memory_space<semaphore_mem>>
        %dma_start3A_178 = arith.constant 0 : i32
        %dma_start3A_179 = tpu.memref_slice %arg4[%scan3A_177, %dma_start3A_178] : memref<5x2000xi32, #tpu.memory_space<vmem>> -> memref<1x2000xi32, #tpu.memory_space<vmem>>
        %dma_start3A_180 = tpu.memref_squeeze %dma_start3A_179 : memref<1x2000xi32, #tpu.memory_space<vmem>> -> memref<2000xi32, #tpu.memory_space<vmem>>
        %dma_start3A_181 = arith.constant 0 : i32
        %dma_start3A_182 = tpu.memref_slice %arg7[%dma_start3A_181] : memref<10240xf32, #tpu.memory_space<vmem_shared>> -> memref<10240xf32, #tpu.memory_space<vmem_shared>>
        tpu.enqueue_indirect_dma source(%arg5 : memref<2000xf32, #tpu.memory_space<vmem>>) target(%dma_start3A_182 : memref<10240xf32, #tpu.memory_space<vmem_shared>>) offsets(%dma_start3A_180 : memref<2000xi32, #tpu.memory_space<vmem>>) semaphore(%run_scoped3A : memref<!tpu.dma_semaphore, #tpu.memory_space<semaphore_mem>>) {add = true}
        %dma_wait3A_183 = arith.constant 0 : i32
        %dma_wait3A_184 = tpu.memref_slice %arg4[%scan3A_177, %dma_wait3A_183] : memref<5x2000xi32, #tpu.memory_space<vmem>> -> memref<1x2000xi32, #tpu.memory_space<vmem>>
        %dma_wait3A_185 = tpu.memref_squeeze %dma_wait3A_184 : memref<1x2000xi32, #tpu.memory_space<vmem>> -> memref<2000xi32, #tpu.memory_space<vmem>>
        %dma_wait3A_186 = arith.constant 0 : i32
        %dma_wait3A_187 = tpu.memref_slice %arg7[%dma_wait3A_186] : memref<10240xf32, #tpu.memory_space<vmem_shared>> -> memref<10240xf32, #tpu.memory_space<vmem_shared>>
        tpu.wait_indirect_dma semaphore(%run_scoped3A : memref<!tpu.dma_semaphore, #tpu.memory_space<semaphore_mem>>) src(%arg5 : memref<2000xf32, #tpu.memory_space<vmem>>) dst(%dma_wait3A_187 : memref<10240xf32, #tpu.memory_space<vmem_shared>>)
        tpu.yield
      }) : () -> ()
    }
    %scan3A_171 = arith.constant 5 : i32
    %barrier3A_172 = arith.constant 0 : index
    tpu.barrier barrier_id(%barrier3A_172)
    %mul3A_173 = arith.constant 640 : i32
    %mul3A_174 = arith.muli %arg1, %mul3A_173 : i32
    %mul3A_175 = arith.constant 640 : i32
    %mul3A_176 = arith.muli %arg1, %mul3A_175 : i32
    "tpu.region"() ({
      %run_scoped3A = tpu.sem_alloc : memref<!tpu.dma_semaphore, #tpu.memory_space<semaphore_mem>>
      %dma_start3A_177 = tpu.memref_slice %arg3[%arg0, %mul3A_176] : memref<2x10240xf32, #tpu.memory_space<hbm>> -> memref<1x640xf32, #tpu.memory_space<hbm>>
      %dma_start3A_178 = tpu.memref_squeeze %dma_start3A_177 : memref<1x640xf32, #tpu.memory_space<hbm>> -> memref<640xf32, #tpu.memory_space<hbm>>
      %dma_start3A_179 = tpu.memref_slice %arg7[%mul3A_174] : memref<10240xf32, #tpu.memory_space<vmem_shared>> -> memref<640xf32, #tpu.memory_space<vmem_shared>>
      tpu.enqueue_dma source(%dma_start3A_179 : memref<640xf32, #tpu.memory_space<vmem_shared>>) target(%dma_start3A_178 : memref<640xf32, #tpu.memory_space<hbm>>) target_semaphore(%run_scoped3A : memref<!tpu.dma_semaphore, #tpu.memory_space<semaphore_mem>>)
      %dma_wait3A_180 = tpu.memref_slice %arg3[%arg0, %mul3A_176] : memref<2x10240xf32, #tpu.memory_space<hbm>> -> memref<1x640xf32, #tpu.memory_space<hbm>>
      %dma_wait3A_181 = tpu.memref_squeeze %dma_wait3A_180 : memref<1x640xf32, #tpu.memory_space<hbm>> -> memref<640xf32, #tpu.memory_space<hbm>>
      %dma_wait3A_182 = tpu.memref_slice %arg7[%mul3A_174] : memref<10240xf32, #tpu.memory_space<vmem_shared>> -> memref<640xf32, #tpu.memory_space<vmem_shared>>
      tpu.wait_dma2 semaphore(%run_scoped3A : memref<!tpu.dma_semaphore, #tpu.memory_space<semaphore_mem>>) src(%dma_wait3A_182 : memref<640xf32, #tpu.memory_space<vmem_shared>>) dst(%dma_wait3A_181 : memref<640xf32, #tpu.memory_space<hbm>>)
      tpu.yield
    }) : () -> ()
    return
  }
}

#map = affine_map<(d0, d1) -> (0, 0)>
#map1 = affine_map<(d0, d1) -> (0, 0, 0)>
module attributes {stable_mosaic.version = 14 : i64} {
  func.func @_sc_msg_body(%arg0: i32, %arg1: i32, %arg2: memref<2x320000xi32, #tpu.memory_space<hbm>>, %arg3: memref<10000x16xf32, #tpu.memory_space<hbm>>, %arg4: memref<2x10240x16xf32, #tpu.memory_space<hbm>>, %arg5: memref<5x2000xi32, #tpu.memory_space<vmem>>, %arg6: memref<5x2000xi32, #tpu.memory_space<vmem>>, %arg7: memref<2000x16xf32, #tpu.memory_space<vmem>>, %arg8: memref<2000x16xf32, #tpu.memory_space<vmem>>, %arg9: memref<640x16xf32, #tpu.memory_space<vmem>>, %arg10: memref<10240x16xf32, #tpu.memory_space<vmem_shared>>, %arg11: memref<!tpu.dma_semaphore, #tpu.memory_space<semaphore_mem>>, %arg12: memref<!tpu.dma_semaphore, #tpu.memory_space<semaphore_mem>>, %arg13: memref<!tpu.dma_semaphore, #tpu.memory_space<semaphore_mem>>) attributes {dimension_semantics = [#tpu.dimension_semantics<core_parallel>, #tpu.dimension_semantics<subcore_parallel>], iteration_bounds = array<i64: 2, 16>, scalar_prefetch = 0 : i64, scratch_operands = 9 : i64, tpu.core_type = #tpu.core_type<sc_vector_subcore>, window_params = [{transform_indices = #map}, {transform_indices = #map}, {transform_indices = #map1}]} {
    %mul3A = arith.constant 16 : i32
    %mul3A_0 = arith.muli %arg0, %mul3A : i32
    %add3A = arith.addi %mul3A_0, %arg1 : i32
    %mul3A_1 = arith.constant 5 : i32
    %mul3A_2 = arith.muli %add3A, %mul3A_1 : i32
    %add3A_3 = arith.constant 0 : i32
    %add3A_4 = arith.addi %mul3A_2, %add3A_3 : i32
    %mul3A_5 = arith.constant 2000 : i32
    %mul3A_6 = arith.muli %add3A_4, %mul3A_5 : i32
    %dma_start3A = arith.constant 0 : i32
    %dma_start3A_7 = arith.constant 0 : i32
    %dma_start3A_8 = arith.constant 0 : i32
    %dma_start3A_9 = tpu.memref_slice %arg5[%dma_start3A_7, %dma_start3A_8] : memref<5x2000xi32, #tpu.memory_space<vmem>> -> memref<1x2000xi32, #tpu.memory_space<vmem>>
    %dma_start3A_10 = tpu.memref_squeeze %dma_start3A_9 : memref<1x2000xi32, #tpu.memory_space<vmem>> -> memref<2000xi32, #tpu.memory_space<vmem>>
    %dma_start3A_11 = tpu.memref_slice %arg2[%dma_start3A, %mul3A_6] : memref<2x320000xi32, #tpu.memory_space<hbm>> -> memref<1x2000xi32, #tpu.memory_space<hbm>>
    %dma_start3A_12 = tpu.memref_squeeze %dma_start3A_11 : memref<1x2000xi32, #tpu.memory_space<hbm>> -> memref<2000xi32, #tpu.memory_space<hbm>>
    %dma_start3A_13 = arith.constant 0 : i32
    %dma_start3A_14 = tpu.memref_slice %arg5[%dma_start3A_7, %dma_start3A_13] : memref<5x2000xi32, #tpu.memory_space<vmem>> -> memref<1x2000xi32, #tpu.memory_space<vmem>>
    %dma_start3A_15 = tpu.memref_squeeze %dma_start3A_14 : memref<1x2000xi32, #tpu.memory_space<vmem>> -> memref<2000xi32, #tpu.memory_space<vmem>>
    %dma_start3A_16 = tpu.memref_slice %arg2[%dma_start3A, %mul3A_6] : memref<2x320000xi32, #tpu.memory_space<hbm>> -> memref<1x2000xi32, #tpu.memory_space<hbm>>
    %dma_start3A_17 = tpu.memref_squeeze %dma_start3A_16 : memref<1x2000xi32, #tpu.memory_space<hbm>> -> memref<2000xi32, #tpu.memory_space<hbm>>
    tpu.enqueue_dma source(%dma_start3A_17 : memref<2000xi32, #tpu.memory_space<hbm>>) target(%dma_start3A_15 : memref<2000xi32, #tpu.memory_space<vmem>>) target_semaphore(%arg11 : memref<!tpu.dma_semaphore, #tpu.memory_space<semaphore_mem>>)
    %mul3A_18 = arith.constant 5 : i32
    %mul3A_19 = arith.muli %add3A, %mul3A_18 : i32
    %add3A_20 = arith.constant 1 : i32
    %add3A_21 = arith.addi %mul3A_19, %add3A_20 : i32
    %mul3A_22 = arith.constant 2000 : i32
    %mul3A_23 = arith.muli %add3A_21, %mul3A_22 : i32
    %dma_start3A_24 = arith.constant 0 : i32
    %dma_start3A_25 = arith.constant 1 : i32
    %dma_start3A_26 = arith.constant 0 : i32
    %dma_start3A_27 = tpu.memref_slice %arg5[%dma_start3A_25, %dma_start3A_26] : memref<5x2000xi32, #tpu.memory_space<vmem>> -> memref<1x2000xi32, #tpu.memory_space<vmem>>
    %dma_start3A_28 = tpu.memref_squeeze %dma_start3A_27 : memref<1x2000xi32, #tpu.memory_space<vmem>> -> memref<2000xi32, #tpu.memory_space<vmem>>
    %dma_start3A_29 = tpu.memref_slice %arg2[%dma_start3A_24, %mul3A_23] : memref<2x320000xi32, #tpu.memory_space<hbm>> -> memref<1x2000xi32, #tpu.memory_space<hbm>>
    %dma_start3A_30 = tpu.memref_squeeze %dma_start3A_29 : memref<1x2000xi32, #tpu.memory_space<hbm>> -> memref<2000xi32, #tpu.memory_space<hbm>>
    %dma_start3A_31 = arith.constant 0 : i32
    %dma_start3A_32 = tpu.memref_slice %arg5[%dma_start3A_25, %dma_start3A_31] : memref<5x2000xi32, #tpu.memory_space<vmem>> -> memref<1x2000xi32, #tpu.memory_space<vmem>>
    %dma_start3A_33 = tpu.memref_squeeze %dma_start3A_32 : memref<1x2000xi32, #tpu.memory_space<vmem>> -> memref<2000xi32, #tpu.memory_space<vmem>>
    %dma_start3A_34 = tpu.memref_slice %arg2[%dma_start3A_24, %mul3A_23] : memref<2x320000xi32, #tpu.memory_space<hbm>> -> memref<1x2000xi32, #tpu.memory_space<hbm>>
    %dma_start3A_35 = tpu.memref_squeeze %dma_start3A_34 : memref<1x2000xi32, #tpu.memory_space<hbm>> -> memref<2000xi32, #tpu.memory_space<hbm>>
    tpu.enqueue_dma source(%dma_start3A_35 : memref<2000xi32, #tpu.memory_space<hbm>>) target(%dma_start3A_33 : memref<2000xi32, #tpu.memory_space<vmem>>) target_semaphore(%arg11 : memref<!tpu.dma_semaphore, #tpu.memory_space<semaphore_mem>>)
    %mul3A_36 = arith.constant 5 : i32
    %mul3A_37 = arith.muli %add3A, %mul3A_36 : i32
    %add3A_38 = arith.constant 2 : i32
    %add3A_39 = arith.addi %mul3A_37, %add3A_38 : i32
    %mul3A_40 = arith.constant 2000 : i32
    %mul3A_41 = arith.muli %add3A_39, %mul3A_40 : i32
    %dma_start3A_42 = arith.constant 0 : i32
    %dma_start3A_43 = arith.constant 2 : i32
    %dma_start3A_44 = arith.constant 0 : i32
    %dma_start3A_45 = tpu.memref_slice %arg5[%dma_start3A_43, %dma_start3A_44] : memref<5x2000xi32, #tpu.memory_space<vmem>> -> memref<1x2000xi32, #tpu.memory_space<vmem>>
    %dma_start3A_46 = tpu.memref_squeeze %dma_start3A_45 : memref<1x2000xi32, #tpu.memory_space<vmem>> -> memref<2000xi32, #tpu.memory_space<vmem>>
    %dma_start3A_47 = tpu.memref_slice %arg2[%dma_start3A_42, %mul3A_41] : memref<2x320000xi32, #tpu.memory_space<hbm>> -> memref<1x2000xi32, #tpu.memory_space<hbm>>
    %dma_start3A_48 = tpu.memref_squeeze %dma_start3A_47 : memref<1x2000xi32, #tpu.memory_space<hbm>> -> memref<2000xi32, #tpu.memory_space<hbm>>
    %dma_start3A_49 = arith.constant 0 : i32
    %dma_start3A_50 = tpu.memref_slice %arg5[%dma_start3A_43, %dma_start3A_49] : memref<5x2000xi32, #tpu.memory_space<vmem>> -> memref<1x2000xi32, #tpu.memory_space<vmem>>
    %dma_start3A_51 = tpu.memref_squeeze %dma_start3A_50 : memref<1x2000xi32, #tpu.memory_space<vmem>> -> memref<2000xi32, #tpu.memory_space<vmem>>
    %dma_start3A_52 = tpu.memref_slice %arg2[%dma_start3A_42, %mul3A_41] : memref<2x320000xi32, #tpu.memory_space<hbm>> -> memref<1x2000xi32, #tpu.memory_space<hbm>>
    %dma_start3A_53 = tpu.memref_squeeze %dma_start3A_52 : memref<1x2000xi32, #tpu.memory_space<hbm>> -> memref<2000xi32, #tpu.memory_space<hbm>>
    tpu.enqueue_dma source(%dma_start3A_53 : memref<2000xi32, #tpu.memory_space<hbm>>) target(%dma_start3A_51 : memref<2000xi32, #tpu.memory_space<vmem>>) target_semaphore(%arg11 : memref<!tpu.dma_semaphore, #tpu.memory_space<semaphore_mem>>)
    %mul3A_54 = arith.constant 5 : i32
    %mul3A_55 = arith.muli %add3A, %mul3A_54 : i32
    %add3A_56 = arith.constant 3 : i32
    %add3A_57 = arith.addi %mul3A_55, %add3A_56 : i32
    %mul3A_58 = arith.constant 2000 : i32
    %mul3A_59 = arith.muli %add3A_57, %mul3A_58 : i32
    %dma_start3A_60 = arith.constant 0 : i32
    %dma_start3A_61 = arith.constant 3 : i32
    %dma_start3A_62 = arith.constant 0 : i32
    %dma_start3A_63 = tpu.memref_slice %arg5[%dma_start3A_61, %dma_start3A_62] : memref<5x2000xi32, #tpu.memory_space<vmem>> -> memref<1x2000xi32, #tpu.memory_space<vmem>>
    %dma_start3A_64 = tpu.memref_squeeze %dma_start3A_63 : memref<1x2000xi32, #tpu.memory_space<vmem>> -> memref<2000xi32, #tpu.memory_space<vmem>>
    %dma_start3A_65 = tpu.memref_slice %arg2[%dma_start3A_60, %mul3A_59] : memref<2x320000xi32, #tpu.memory_space<hbm>> -> memref<1x2000xi32, #tpu.memory_space<hbm>>
    %dma_start3A_66 = tpu.memref_squeeze %dma_start3A_65 : memref<1x2000xi32, #tpu.memory_space<hbm>> -> memref<2000xi32, #tpu.memory_space<hbm>>
    %dma_start3A_67 = arith.constant 0 : i32
    %dma_start3A_68 = tpu.memref_slice %arg5[%dma_start3A_61, %dma_start3A_67] : memref<5x2000xi32, #tpu.memory_space<vmem>> -> memref<1x2000xi32, #tpu.memory_space<vmem>>
    %dma_start3A_69 = tpu.memref_squeeze %dma_start3A_68 : memref<1x2000xi32, #tpu.memory_space<vmem>> -> memref<2000xi32, #tpu.memory_space<vmem>>
    %dma_start3A_70 = tpu.memref_slice %arg2[%dma_start3A_60, %mul3A_59] : memref<2x320000xi32, #tpu.memory_space<hbm>> -> memref<1x2000xi32, #tpu.memory_space<hbm>>
    %dma_start3A_71 = tpu.memref_squeeze %dma_start3A_70 : memref<1x2000xi32, #tpu.memory_space<hbm>> -> memref<2000xi32, #tpu.memory_space<hbm>>
    tpu.enqueue_dma source(%dma_start3A_71 : memref<2000xi32, #tpu.memory_space<hbm>>) target(%dma_start3A_69 : memref<2000xi32, #tpu.memory_space<vmem>>) target_semaphore(%arg11 : memref<!tpu.dma_semaphore, #tpu.memory_space<semaphore_mem>>)
    %mul3A_72 = arith.constant 5 : i32
    %mul3A_73 = arith.muli %add3A, %mul3A_72 : i32
    %add3A_74 = arith.constant 4 : i32
    %add3A_75 = arith.addi %mul3A_73, %add3A_74 : i32
    %mul3A_76 = arith.constant 2000 : i32
    %mul3A_77 = arith.muli %add3A_75, %mul3A_76 : i32
    %dma_start3A_78 = arith.constant 0 : i32
    %dma_start3A_79 = arith.constant 4 : i32
    %dma_start3A_80 = arith.constant 0 : i32
    %dma_start3A_81 = tpu.memref_slice %arg5[%dma_start3A_79, %dma_start3A_80] : memref<5x2000xi32, #tpu.memory_space<vmem>> -> memref<1x2000xi32, #tpu.memory_space<vmem>>
    %dma_start3A_82 = tpu.memref_squeeze %dma_start3A_81 : memref<1x2000xi32, #tpu.memory_space<vmem>> -> memref<2000xi32, #tpu.memory_space<vmem>>
    %dma_start3A_83 = tpu.memref_slice %arg2[%dma_start3A_78, %mul3A_77] : memref<2x320000xi32, #tpu.memory_space<hbm>> -> memref<1x2000xi32, #tpu.memory_space<hbm>>
    %dma_start3A_84 = tpu.memref_squeeze %dma_start3A_83 : memref<1x2000xi32, #tpu.memory_space<hbm>> -> memref<2000xi32, #tpu.memory_space<hbm>>
    %dma_start3A_85 = arith.constant 0 : i32
    %dma_start3A_86 = tpu.memref_slice %arg5[%dma_start3A_79, %dma_start3A_85] : memref<5x2000xi32, #tpu.memory_space<vmem>> -> memref<1x2000xi32, #tpu.memory_space<vmem>>
    %dma_start3A_87 = tpu.memref_squeeze %dma_start3A_86 : memref<1x2000xi32, #tpu.memory_space<vmem>> -> memref<2000xi32, #tpu.memory_space<vmem>>
    %dma_start3A_88 = tpu.memref_slice %arg2[%dma_start3A_78, %mul3A_77] : memref<2x320000xi32, #tpu.memory_space<hbm>> -> memref<1x2000xi32, #tpu.memory_space<hbm>>
    %dma_start3A_89 = tpu.memref_squeeze %dma_start3A_88 : memref<1x2000xi32, #tpu.memory_space<hbm>> -> memref<2000xi32, #tpu.memory_space<hbm>>
    tpu.enqueue_dma source(%dma_start3A_89 : memref<2000xi32, #tpu.memory_space<hbm>>) target(%dma_start3A_87 : memref<2000xi32, #tpu.memory_space<vmem>>) target_semaphore(%arg11 : memref<!tpu.dma_semaphore, #tpu.memory_space<semaphore_mem>>)
    %mul3A_90 = arith.constant 5 : i32
    %mul3A_91 = arith.muli %add3A, %mul3A_90 : i32
    %add3A_92 = arith.constant 0 : i32
    %add3A_93 = arith.addi %mul3A_91, %add3A_92 : i32
    %mul3A_94 = arith.constant 2000 : i32
    %mul3A_95 = arith.muli %add3A_93, %mul3A_94 : i32
    %dma_start3A_96 = arith.constant 1 : i32
    %dma_start3A_97 = arith.constant 0 : i32
    %dma_start3A_98 = arith.constant 0 : i32
    %dma_start3A_99 = tpu.memref_slice %arg6[%dma_start3A_97, %dma_start3A_98] : memref<5x2000xi32, #tpu.memory_space<vmem>> -> memref<1x2000xi32, #tpu.memory_space<vmem>>
    %dma_start3A_100 = tpu.memref_squeeze %dma_start3A_99 : memref<1x2000xi32, #tpu.memory_space<vmem>> -> memref<2000xi32, #tpu.memory_space<vmem>>
    %dma_start3A_101 = tpu.memref_slice %arg2[%dma_start3A_96, %mul3A_95] : memref<2x320000xi32, #tpu.memory_space<hbm>> -> memref<1x2000xi32, #tpu.memory_space<hbm>>
    %dma_start3A_102 = tpu.memref_squeeze %dma_start3A_101 : memref<1x2000xi32, #tpu.memory_space<hbm>> -> memref<2000xi32, #tpu.memory_space<hbm>>
    %dma_start3A_103 = arith.constant 0 : i32
    %dma_start3A_104 = tpu.memref_slice %arg6[%dma_start3A_97, %dma_start3A_103] : memref<5x2000xi32, #tpu.memory_space<vmem>> -> memref<1x2000xi32, #tpu.memory_space<vmem>>
    %dma_start3A_105 = tpu.memref_squeeze %dma_start3A_104 : memref<1x2000xi32, #tpu.memory_space<vmem>> -> memref<2000xi32, #tpu.memory_space<vmem>>
    %dma_start3A_106 = tpu.memref_slice %arg2[%dma_start3A_96, %mul3A_95] : memref<2x320000xi32, #tpu.memory_space<hbm>> -> memref<1x2000xi32, #tpu.memory_space<hbm>>
    %dma_start3A_107 = tpu.memref_squeeze %dma_start3A_106 : memref<1x2000xi32, #tpu.memory_space<hbm>> -> memref<2000xi32, #tpu.memory_space<hbm>>
    tpu.enqueue_dma source(%dma_start3A_107 : memref<2000xi32, #tpu.memory_space<hbm>>) target(%dma_start3A_105 : memref<2000xi32, #tpu.memory_space<vmem>>) target_semaphore(%arg11 : memref<!tpu.dma_semaphore, #tpu.memory_space<semaphore_mem>>)
    %mul3A_108 = arith.constant 5 : i32
    %mul3A_109 = arith.muli %add3A, %mul3A_108 : i32
    %add3A_110 = arith.constant 1 : i32
    %add3A_111 = arith.addi %mul3A_109, %add3A_110 : i32
    %mul3A_112 = arith.constant 2000 : i32
    %mul3A_113 = arith.muli %add3A_111, %mul3A_112 : i32
    %dma_start3A_114 = arith.constant 1 : i32
    %dma_start3A_115 = arith.constant 1 : i32
    %dma_start3A_116 = arith.constant 0 : i32
    %dma_start3A_117 = tpu.memref_slice %arg6[%dma_start3A_115, %dma_start3A_116] : memref<5x2000xi32, #tpu.memory_space<vmem>> -> memref<1x2000xi32, #tpu.memory_space<vmem>>
    %dma_start3A_118 = tpu.memref_squeeze %dma_start3A_117 : memref<1x2000xi32, #tpu.memory_space<vmem>> -> memref<2000xi32, #tpu.memory_space<vmem>>
    %dma_start3A_119 = tpu.memref_slice %arg2[%dma_start3A_114, %mul3A_113] : memref<2x320000xi32, #tpu.memory_space<hbm>> -> memref<1x2000xi32, #tpu.memory_space<hbm>>
    %dma_start3A_120 = tpu.memref_squeeze %dma_start3A_119 : memref<1x2000xi32, #tpu.memory_space<hbm>> -> memref<2000xi32, #tpu.memory_space<hbm>>
    %dma_start3A_121 = arith.constant 0 : i32
    %dma_start3A_122 = tpu.memref_slice %arg6[%dma_start3A_115, %dma_start3A_121] : memref<5x2000xi32, #tpu.memory_space<vmem>> -> memref<1x2000xi32, #tpu.memory_space<vmem>>
    %dma_start3A_123 = tpu.memref_squeeze %dma_start3A_122 : memref<1x2000xi32, #tpu.memory_space<vmem>> -> memref<2000xi32, #tpu.memory_space<vmem>>
    %dma_start3A_124 = tpu.memref_slice %arg2[%dma_start3A_114, %mul3A_113] : memref<2x320000xi32, #tpu.memory_space<hbm>> -> memref<1x2000xi32, #tpu.memory_space<hbm>>
    %dma_start3A_125 = tpu.memref_squeeze %dma_start3A_124 : memref<1x2000xi32, #tpu.memory_space<hbm>> -> memref<2000xi32, #tpu.memory_space<hbm>>
    tpu.enqueue_dma source(%dma_start3A_125 : memref<2000xi32, #tpu.memory_space<hbm>>) target(%dma_start3A_123 : memref<2000xi32, #tpu.memory_space<vmem>>) target_semaphore(%arg11 : memref<!tpu.dma_semaphore, #tpu.memory_space<semaphore_mem>>)
    %mul3A_126 = arith.constant 5 : i32
    %mul3A_127 = arith.muli %add3A, %mul3A_126 : i32
    %add3A_128 = arith.constant 2 : i32
    %add3A_129 = arith.addi %mul3A_127, %add3A_128 : i32
    %mul3A_130 = arith.constant 2000 : i32
    %mul3A_131 = arith.muli %add3A_129, %mul3A_130 : i32
    %dma_start3A_132 = arith.constant 1 : i32
    %dma_start3A_133 = arith.constant 2 : i32
    %dma_start3A_134 = arith.constant 0 : i32
    %dma_start3A_135 = tpu.memref_slice %arg6[%dma_start3A_133, %dma_start3A_134] : memref<5x2000xi32, #tpu.memory_space<vmem>> -> memref<1x2000xi32, #tpu.memory_space<vmem>>
    %dma_start3A_136 = tpu.memref_squeeze %dma_start3A_135 : memref<1x2000xi32, #tpu.memory_space<vmem>> -> memref<2000xi32, #tpu.memory_space<vmem>>
    %dma_start3A_137 = tpu.memref_slice %arg2[%dma_start3A_132, %mul3A_131] : memref<2x320000xi32, #tpu.memory_space<hbm>> -> memref<1x2000xi32, #tpu.memory_space<hbm>>
    %dma_start3A_138 = tpu.memref_squeeze %dma_start3A_137 : memref<1x2000xi32, #tpu.memory_space<hbm>> -> memref<2000xi32, #tpu.memory_space<hbm>>
    %dma_start3A_139 = arith.constant 0 : i32
    %dma_start3A_140 = tpu.memref_slice %arg6[%dma_start3A_133, %dma_start3A_139] : memref<5x2000xi32, #tpu.memory_space<vmem>> -> memref<1x2000xi32, #tpu.memory_space<vmem>>
    %dma_start3A_141 = tpu.memref_squeeze %dma_start3A_140 : memref<1x2000xi32, #tpu.memory_space<vmem>> -> memref<2000xi32, #tpu.memory_space<vmem>>
    %dma_start3A_142 = tpu.memref_slice %arg2[%dma_start3A_132, %mul3A_131] : memref<2x320000xi32, #tpu.memory_space<hbm>> -> memref<1x2000xi32, #tpu.memory_space<hbm>>
    %dma_start3A_143 = tpu.memref_squeeze %dma_start3A_142 : memref<1x2000xi32, #tpu.memory_space<hbm>> -> memref<2000xi32, #tpu.memory_space<hbm>>
    tpu.enqueue_dma source(%dma_start3A_143 : memref<2000xi32, #tpu.memory_space<hbm>>) target(%dma_start3A_141 : memref<2000xi32, #tpu.memory_space<vmem>>) target_semaphore(%arg11 : memref<!tpu.dma_semaphore, #tpu.memory_space<semaphore_mem>>)
    %mul3A_144 = arith.constant 5 : i32
    %mul3A_145 = arith.muli %add3A, %mul3A_144 : i32
    %add3A_146 = arith.constant 3 : i32
    %add3A_147 = arith.addi %mul3A_145, %add3A_146 : i32
    %mul3A_148 = arith.constant 2000 : i32
    %mul3A_149 = arith.muli %add3A_147, %mul3A_148 : i32
    %dma_start3A_150 = arith.constant 1 : i32
    %dma_start3A_151 = arith.constant 3 : i32
    %dma_start3A_152 = arith.constant 0 : i32
    %dma_start3A_153 = tpu.memref_slice %arg6[%dma_start3A_151, %dma_start3A_152] : memref<5x2000xi32, #tpu.memory_space<vmem>> -> memref<1x2000xi32, #tpu.memory_space<vmem>>
    %dma_start3A_154 = tpu.memref_squeeze %dma_start3A_153 : memref<1x2000xi32, #tpu.memory_space<vmem>> -> memref<2000xi32, #tpu.memory_space<vmem>>
    %dma_start3A_155 = tpu.memref_slice %arg2[%dma_start3A_150, %mul3A_149] : memref<2x320000xi32, #tpu.memory_space<hbm>> -> memref<1x2000xi32, #tpu.memory_space<hbm>>
    %dma_start3A_156 = tpu.memref_squeeze %dma_start3A_155 : memref<1x2000xi32, #tpu.memory_space<hbm>> -> memref<2000xi32, #tpu.memory_space<hbm>>
    %dma_start3A_157 = arith.constant 0 : i32
    %dma_start3A_158 = tpu.memref_slice %arg6[%dma_start3A_151, %dma_start3A_157] : memref<5x2000xi32, #tpu.memory_space<vmem>> -> memref<1x2000xi32, #tpu.memory_space<vmem>>
    %dma_start3A_159 = tpu.memref_squeeze %dma_start3A_158 : memref<1x2000xi32, #tpu.memory_space<vmem>> -> memref<2000xi32, #tpu.memory_space<vmem>>
    %dma_start3A_160 = tpu.memref_slice %arg2[%dma_start3A_150, %mul3A_149] : memref<2x320000xi32, #tpu.memory_space<hbm>> -> memref<1x2000xi32, #tpu.memory_space<hbm>>
    %dma_start3A_161 = tpu.memref_squeeze %dma_start3A_160 : memref<1x2000xi32, #tpu.memory_space<hbm>> -> memref<2000xi32, #tpu.memory_space<hbm>>
    tpu.enqueue_dma source(%dma_start3A_161 : memref<2000xi32, #tpu.memory_space<hbm>>) target(%dma_start3A_159 : memref<2000xi32, #tpu.memory_space<vmem>>) target_semaphore(%arg11 : memref<!tpu.dma_semaphore, #tpu.memory_space<semaphore_mem>>)
    %mul3A_162 = arith.constant 5 : i32
    %mul3A_163 = arith.muli %add3A, %mul3A_162 : i32
    %add3A_164 = arith.constant 4 : i32
    %add3A_165 = arith.addi %mul3A_163, %add3A_164 : i32
    %mul3A_166 = arith.constant 2000 : i32
    %mul3A_167 = arith.muli %add3A_165, %mul3A_166 : i32
    %dma_start3A_168 = arith.constant 1 : i32
    %dma_start3A_169 = arith.constant 4 : i32
    %dma_start3A_170 = arith.constant 0 : i32
    %dma_start3A_171 = tpu.memref_slice %arg6[%dma_start3A_169, %dma_start3A_170] : memref<5x2000xi32, #tpu.memory_space<vmem>> -> memref<1x2000xi32, #tpu.memory_space<vmem>>
    %dma_start3A_172 = tpu.memref_squeeze %dma_start3A_171 : memref<1x2000xi32, #tpu.memory_space<vmem>> -> memref<2000xi32, #tpu.memory_space<vmem>>
    %dma_start3A_173 = tpu.memref_slice %arg2[%dma_start3A_168, %mul3A_167] : memref<2x320000xi32, #tpu.memory_space<hbm>> -> memref<1x2000xi32, #tpu.memory_space<hbm>>
    %dma_start3A_174 = tpu.memref_squeeze %dma_start3A_173 : memref<1x2000xi32, #tpu.memory_space<hbm>> -> memref<2000xi32, #tpu.memory_space<hbm>>
    %dma_start3A_175 = arith.constant 0 : i32
    %dma_start3A_176 = tpu.memref_slice %arg6[%dma_start3A_169, %dma_start3A_175] : memref<5x2000xi32, #tpu.memory_space<vmem>> -> memref<1x2000xi32, #tpu.memory_space<vmem>>
    %dma_start3A_177 = tpu.memref_squeeze %dma_start3A_176 : memref<1x2000xi32, #tpu.memory_space<vmem>> -> memref<2000xi32, #tpu.memory_space<vmem>>
    %dma_start3A_178 = tpu.memref_slice %arg2[%dma_start3A_168, %mul3A_167] : memref<2x320000xi32, #tpu.memory_space<hbm>> -> memref<1x2000xi32, #tpu.memory_space<hbm>>
    %dma_start3A_179 = tpu.memref_squeeze %dma_start3A_178 : memref<1x2000xi32, #tpu.memory_space<hbm>> -> memref<2000xi32, #tpu.memory_space<hbm>>
    tpu.enqueue_dma source(%dma_start3A_179 : memref<2000xi32, #tpu.memory_space<hbm>>) target(%dma_start3A_177 : memref<2000xi32, #tpu.memory_space<vmem>>) target_semaphore(%arg11 : memref<!tpu.dma_semaphore, #tpu.memory_space<semaphore_mem>>)
    %scan3A = arith.constant 0 : i32
    %scan3A_180 = arith.constant 0 : i32
    %scan3A_181 = arith.constant 640 : i32
    %scan3A_182 = arith.addi %scan3A_180, %scan3A_181 : i32
    %scan3A_183 = arith.constant 1 : i32
    scf.for %scan3A_385 = %scan3A_180 to %scan3A_182 step %scan3A_183  : i32 {
      %broadcast_in_dim3A = arith.constant 0.000000e+00 : f32
      %broadcast_in_dim3A_386 = vector.broadcast %broadcast_in_dim3A : f32 to vector<16xf32>
      %swap3A = arith.index_cast %scan3A_385 : i32 to index
      %swap3A_387 = arith.constant 0 : index
      %swap3A_388 = tpu.vector_load %arg9[%swap3A, %swap3A_387] {strides = array<i32>} : memref<640x16xf32, #tpu.memory_space<vmem>>, vector<1x16xf32>,
      %swap3A_389 = vector.shape_cast %swap3A_388 : vector<1x16xf32> to vector<16xf32>
      %swap3A_390 = vector.shape_cast %broadcast_in_dim3A_386 : vector<16xf32> to vector<1x16xf32>
      tpu.vector_store %arg9[%swap3A, %swap3A_387], %swap3A_390 {strides = array<i32>} : memref<640x16xf32, #tpu.memory_space<vmem>>, vector<1x16xf32>,
    }
    %scan3A_184 = arith.constant 640 : i32
    %mul3A_185 = arith.constant 640 : i32
    %mul3A_186 = arith.muli %arg1, %mul3A_185 : i32
    "tpu.region"() ({
      %run_scoped3A_385 = tpu.sem_alloc : memref<!tpu.dma_semaphore, #tpu.memory_space<semaphore_mem>>
      %dma_start3A_386 = arith.constant 0 : i32
      %dma_start3A_387 = tpu.memref_slice %arg10[%mul3A_186, %dma_start3A_386] : memref<10240x16xf32, #tpu.memory_space<vmem_shared>> -> memref<640x16xf32, #tpu.memory_space<vmem_shared>>
      %dma_start3A_388 = arith.constant 0 : i32
      %dma_start3A_389 = tpu.memref_slice %arg10[%mul3A_186, %dma_start3A_388] : memref<10240x16xf32, #tpu.memory_space<vmem_shared>> -> memref<640x16xf32, #tpu.memory_space<vmem_shared>>
      tpu.enqueue_dma source(%arg9 : memref<640x16xf32, #tpu.memory_space<vmem>>) target(%dma_start3A_389 : memref<640x16xf32, #tpu.memory_space<vmem_shared>>) target_semaphore(%run_scoped3A_385 : memref<!tpu.dma_semaphore, #tpu.memory_space<semaphore_mem>>)
      %dma_wait3A_390 = arith.constant 0 : i32
      %dma_wait3A_391 = tpu.memref_slice %arg10[%mul3A_186, %dma_wait3A_390] : memref<10240x16xf32, #tpu.memory_space<vmem_shared>> -> memref<640x16xf32, #tpu.memory_space<vmem_shared>>
      %dma_wait3A_392 = arith.constant 0 : i32
      %dma_wait3A_393 = tpu.memref_slice %arg10[%mul3A_186, %dma_wait3A_392] : memref<10240x16xf32, #tpu.memory_space<vmem_shared>> -> memref<640x16xf32, #tpu.memory_space<vmem_shared>>
      tpu.wait_dma2 semaphore(%run_scoped3A_385 : memref<!tpu.dma_semaphore, #tpu.memory_space<semaphore_mem>>) src(%arg9 : memref<640x16xf32, #tpu.memory_space<vmem>>) dst(%dma_wait3A_393 : memref<640x16xf32, #tpu.memory_space<vmem_shared>>)
      tpu.yield
    }) : () -> ()
    %dma_wait3A = arith.constant 0 : i32
    %dma_wait3A_187 = arith.constant 0 : i32
    %dma_wait3A_188 = arith.constant 0 : i32
    %dma_wait3A_189 = tpu.memref_slice %arg5[%dma_wait3A_187, %dma_wait3A_188] : memref<5x2000xi32, #tpu.memory_space<vmem>> -> memref<1x2000xi32, #tpu.memory_space<vmem>>
    %dma_wait3A_190 = tpu.memref_squeeze %dma_wait3A_189 : memref<1x2000xi32, #tpu.memory_space<vmem>> -> memref<2000xi32, #tpu.memory_space<vmem>>
    %dma_wait3A_191 = tpu.memref_slice %arg2[%dma_wait3A, %mul3A_6] : memref<2x320000xi32, #tpu.memory_space<hbm>> -> memref<1x2000xi32, #tpu.memory_space<hbm>>
    %dma_wait3A_192 = tpu.memref_squeeze %dma_wait3A_191 : memref<1x2000xi32, #tpu.memory_space<hbm>> -> memref<2000xi32, #tpu.memory_space<hbm>>
    %dma_wait3A_193 = arith.constant 0 : i32
    %dma_wait3A_194 = tpu.memref_slice %arg5[%dma_wait3A_187, %dma_wait3A_193] : memref<5x2000xi32, #tpu.memory_space<vmem>> -> memref<1x2000xi32, #tpu.memory_space<vmem>>
    %dma_wait3A_195 = tpu.memref_squeeze %dma_wait3A_194 : memref<1x2000xi32, #tpu.memory_space<vmem>> -> memref<2000xi32, #tpu.memory_space<vmem>>
    %dma_wait3A_196 = tpu.memref_slice %arg2[%dma_wait3A, %mul3A_6] : memref<2x320000xi32, #tpu.memory_space<hbm>> -> memref<1x2000xi32, #tpu.memory_space<hbm>>
    %dma_wait3A_197 = tpu.memref_squeeze %dma_wait3A_196 : memref<1x2000xi32, #tpu.memory_space<hbm>> -> memref<2000xi32, #tpu.memory_space<hbm>>
    tpu.wait_dma2 semaphore(%arg11 : memref<!tpu.dma_semaphore, #tpu.memory_space<semaphore_mem>>) src(%dma_wait3A_197 : memref<2000xi32, #tpu.memory_space<hbm>>) dst(%dma_wait3A_195 : memref<2000xi32, #tpu.memory_space<vmem>>)
    %dma_wait3A_198 = arith.constant 0 : i32
    %dma_wait3A_199 = arith.constant 1 : i32
    %dma_wait3A_200 = arith.constant 0 : i32
    %dma_wait3A_201 = tpu.memref_slice %arg5[%dma_wait3A_199, %dma_wait3A_200] : memref<5x2000xi32, #tpu.memory_space<vmem>> -> memref<1x2000xi32, #tpu.memory_space<vmem>>
    %dma_wait3A_202 = tpu.memref_squeeze %dma_wait3A_201 : memref<1x2000xi32, #tpu.memory_space<vmem>> -> memref<2000xi32, #tpu.memory_space<vmem>>
    %dma_wait3A_203 = tpu.memref_slice %arg2[%dma_wait3A_198, %mul3A_23] : memref<2x320000xi32, #tpu.memory_space<hbm>> -> memref<1x2000xi32, #tpu.memory_space<hbm>>
    %dma_wait3A_204 = tpu.memref_squeeze %dma_wait3A_203 : memref<1x2000xi32, #tpu.memory_space<hbm>> -> memref<2000xi32, #tpu.memory_space<hbm>>
    %dma_wait3A_205 = arith.constant 0 : i32
    %dma_wait3A_206 = tpu.memref_slice %arg5[%dma_wait3A_199, %dma_wait3A_205] : memref<5x2000xi32, #tpu.memory_space<vmem>> -> memref<1x2000xi32, #tpu.memory_space<vmem>>
    %dma_wait3A_207 = tpu.memref_squeeze %dma_wait3A_206 : memref<1x2000xi32, #tpu.memory_space<vmem>> -> memref<2000xi32, #tpu.memory_space<vmem>>
    %dma_wait3A_208 = tpu.memref_slice %arg2[%dma_wait3A_198, %mul3A_23] : memref<2x320000xi32, #tpu.memory_space<hbm>> -> memref<1x2000xi32, #tpu.memory_space<hbm>>
    %dma_wait3A_209 = tpu.memref_squeeze %dma_wait3A_208 : memref<1x2000xi32, #tpu.memory_space<hbm>> -> memref<2000xi32, #tpu.memory_space<hbm>>
    tpu.wait_dma2 semaphore(%arg11 : memref<!tpu.dma_semaphore, #tpu.memory_space<semaphore_mem>>) src(%dma_wait3A_209 : memref<2000xi32, #tpu.memory_space<hbm>>) dst(%dma_wait3A_207 : memref<2000xi32, #tpu.memory_space<vmem>>)
    %dma_wait3A_210 = arith.constant 0 : i32
    %dma_wait3A_211 = arith.constant 2 : i32
    %dma_wait3A_212 = arith.constant 0 : i32
    %dma_wait3A_213 = tpu.memref_slice %arg5[%dma_wait3A_211, %dma_wait3A_212] : memref<5x2000xi32, #tpu.memory_space<vmem>> -> memref<1x2000xi32, #tpu.memory_space<vmem>>
    %dma_wait3A_214 = tpu.memref_squeeze %dma_wait3A_213 : memref<1x2000xi32, #tpu.memory_space<vmem>> -> memref<2000xi32, #tpu.memory_space<vmem>>
    %dma_wait3A_215 = tpu.memref_slice %arg2[%dma_wait3A_210, %mul3A_41] : memref<2x320000xi32, #tpu.memory_space<hbm>> -> memref<1x2000xi32, #tpu.memory_space<hbm>>
    %dma_wait3A_216 = tpu.memref_squeeze %dma_wait3A_215 : memref<1x2000xi32, #tpu.memory_space<hbm>> -> memref<2000xi32, #tpu.memory_space<hbm>>
    %dma_wait3A_217 = arith.constant 0 : i32
    %dma_wait3A_218 = tpu.memref_slice %arg5[%dma_wait3A_211, %dma_wait3A_217] : memref<5x2000xi32, #tpu.memory_space<vmem>> -> memref<1x2000xi32, #tpu.memory_space<vmem>>
    %dma_wait3A_219 = tpu.memref_squeeze %dma_wait3A_218 : memref<1x2000xi32, #tpu.memory_space<vmem>> -> memref<2000xi32, #tpu.memory_space<vmem>>
    %dma_wait3A_220 = tpu.memref_slice %arg2[%dma_wait3A_210, %mul3A_41] : memref<2x320000xi32, #tpu.memory_space<hbm>> -> memref<1x2000xi32, #tpu.memory_space<hbm>>
    %dma_wait3A_221 = tpu.memref_squeeze %dma_wait3A_220 : memref<1x2000xi32, #tpu.memory_space<hbm>> -> memref<2000xi32, #tpu.memory_space<hbm>>
    tpu.wait_dma2 semaphore(%arg11 : memref<!tpu.dma_semaphore, #tpu.memory_space<semaphore_mem>>) src(%dma_wait3A_221 : memref<2000xi32, #tpu.memory_space<hbm>>) dst(%dma_wait3A_219 : memref<2000xi32, #tpu.memory_space<vmem>>)
    %dma_wait3A_222 = arith.constant 0 : i32
    %dma_wait3A_223 = arith.constant 3 : i32
    %dma_wait3A_224 = arith.constant 0 : i32
    %dma_wait3A_225 = tpu.memref_slice %arg5[%dma_wait3A_223, %dma_wait3A_224] : memref<5x2000xi32, #tpu.memory_space<vmem>> -> memref<1x2000xi32, #tpu.memory_space<vmem>>
    %dma_wait3A_226 = tpu.memref_squeeze %dma_wait3A_225 : memref<1x2000xi32, #tpu.memory_space<vmem>> -> memref<2000xi32, #tpu.memory_space<vmem>>
    %dma_wait3A_227 = tpu.memref_slice %arg2[%dma_wait3A_222, %mul3A_59] : memref<2x320000xi32, #tpu.memory_space<hbm>> -> memref<1x2000xi32, #tpu.memory_space<hbm>>
    %dma_wait3A_228 = tpu.memref_squeeze %dma_wait3A_227 : memref<1x2000xi32, #tpu.memory_space<hbm>> -> memref<2000xi32, #tpu.memory_space<hbm>>
    %dma_wait3A_229 = arith.constant 0 : i32
    %dma_wait3A_230 = tpu.memref_slice %arg5[%dma_wait3A_223, %dma_wait3A_229] : memref<5x2000xi32, #tpu.memory_space<vmem>> -> memref<1x2000xi32, #tpu.memory_space<vmem>>
    %dma_wait3A_231 = tpu.memref_squeeze %dma_wait3A_230 : memref<1x2000xi32, #tpu.memory_space<vmem>> -> memref<2000xi32, #tpu.memory_space<vmem>>
    %dma_wait3A_232 = tpu.memref_slice %arg2[%dma_wait3A_222, %mul3A_59] : memref<2x320000xi32, #tpu.memory_space<hbm>> -> memref<1x2000xi32, #tpu.memory_space<hbm>>
    %dma_wait3A_233 = tpu.memref_squeeze %dma_wait3A_232 : memref<1x2000xi32, #tpu.memory_space<hbm>> -> memref<2000xi32, #tpu.memory_space<hbm>>
    tpu.wait_dma2 semaphore(%arg11 : memref<!tpu.dma_semaphore, #tpu.memory_space<semaphore_mem>>) src(%dma_wait3A_233 : memref<2000xi32, #tpu.memory_space<hbm>>) dst(%dma_wait3A_231 : memref<2000xi32, #tpu.memory_space<vmem>>)
    %dma_wait3A_234 = arith.constant 0 : i32
    %dma_wait3A_235 = arith.constant 4 : i32
    %dma_wait3A_236 = arith.constant 0 : i32
    %dma_wait3A_237 = tpu.memref_slice %arg5[%dma_wait3A_235, %dma_wait3A_236] : memref<5x2000xi32, #tpu.memory_space<vmem>> -> memref<1x2000xi32, #tpu.memory_space<vmem>>
    %dma_wait3A_238 = tpu.memref_squeeze %dma_wait3A_237 : memref<1x2000xi32, #tpu.memory_space<vmem>> -> memref<2000xi32, #tpu.memory_space<vmem>>
    %dma_wait3A_239 = tpu.memref_slice %arg2[%dma_wait3A_234, %mul3A_77] : memref<2x320000xi32, #tpu.memory_space<hbm>> -> memref<1x2000xi32, #tpu.memory_space<hbm>>
    %dma_wait3A_240 = tpu.memref_squeeze %dma_wait3A_239 : memref<1x2000xi32, #tpu.memory_space<hbm>> -> memref<2000xi32, #tpu.memory_space<hbm>>
    %dma_wait3A_241 = arith.constant 0 : i32
    %dma_wait3A_242 = tpu.memref_slice %arg5[%dma_wait3A_235, %dma_wait3A_241] : memref<5x2000xi32, #tpu.memory_space<vmem>> -> memref<1x2000xi32, #tpu.memory_space<vmem>>
    %dma_wait3A_243 = tpu.memref_squeeze %dma_wait3A_242 : memref<1x2000xi32, #tpu.memory_space<vmem>> -> memref<2000xi32, #tpu.memory_space<vmem>>
    %dma_wait3A_244 = tpu.memref_slice %arg2[%dma_wait3A_234, %mul3A_77] : memref<2x320000xi32, #tpu.memory_space<hbm>> -> memref<1x2000xi32, #tpu.memory_space<hbm>>
    %dma_wait3A_245 = tpu.memref_squeeze %dma_wait3A_244 : memref<1x2000xi32, #tpu.memory_space<hbm>> -> memref<2000xi32, #tpu.memory_space<hbm>>
    tpu.wait_dma2 semaphore(%arg11 : memref<!tpu.dma_semaphore, #tpu.memory_space<semaphore_mem>>) src(%dma_wait3A_245 : memref<2000xi32, #tpu.memory_space<hbm>>) dst(%dma_wait3A_243 : memref<2000xi32, #tpu.memory_space<vmem>>)
    %dma_wait3A_246 = arith.constant 1 : i32
    %dma_wait3A_247 = arith.constant 0 : i32
    %dma_wait3A_248 = arith.constant 0 : i32
    %dma_wait3A_249 = tpu.memref_slice %arg6[%dma_wait3A_247, %dma_wait3A_248] : memref<5x2000xi32, #tpu.memory_space<vmem>> -> memref<1x2000xi32, #tpu.memory_space<vmem>>
    %dma_wait3A_250 = tpu.memref_squeeze %dma_wait3A_249 : memref<1x2000xi32, #tpu.memory_space<vmem>> -> memref<2000xi32, #tpu.memory_space<vmem>>
    %dma_wait3A_251 = tpu.memref_slice %arg2[%dma_wait3A_246, %mul3A_95] : memref<2x320000xi32, #tpu.memory_space<hbm>> -> memref<1x2000xi32, #tpu.memory_space<hbm>>
    %dma_wait3A_252 = tpu.memref_squeeze %dma_wait3A_251 : memref<1x2000xi32, #tpu.memory_space<hbm>> -> memref<2000xi32, #tpu.memory_space<hbm>>
    %dma_wait3A_253 = arith.constant 0 : i32
    %dma_wait3A_254 = tpu.memref_slice %arg6[%dma_wait3A_247, %dma_wait3A_253] : memref<5x2000xi32, #tpu.memory_space<vmem>> -> memref<1x2000xi32, #tpu.memory_space<vmem>>
    %dma_wait3A_255 = tpu.memref_squeeze %dma_wait3A_254 : memref<1x2000xi32, #tpu.memory_space<vmem>> -> memref<2000xi32, #tpu.memory_space<vmem>>
    %dma_wait3A_256 = tpu.memref_slice %arg2[%dma_wait3A_246, %mul3A_95] : memref<2x320000xi32, #tpu.memory_space<hbm>> -> memref<1x2000xi32, #tpu.memory_space<hbm>>
    %dma_wait3A_257 = tpu.memref_squeeze %dma_wait3A_256 : memref<1x2000xi32, #tpu.memory_space<hbm>> -> memref<2000xi32, #tpu.memory_space<hbm>>
    tpu.wait_dma2 semaphore(%arg11 : memref<!tpu.dma_semaphore, #tpu.memory_space<semaphore_mem>>) src(%dma_wait3A_257 : memref<2000xi32, #tpu.memory_space<hbm>>) dst(%dma_wait3A_255 : memref<2000xi32, #tpu.memory_space<vmem>>)
    %dma_wait3A_258 = arith.constant 1 : i32
    %dma_wait3A_259 = arith.constant 1 : i32
    %dma_wait3A_260 = arith.constant 0 : i32
    %dma_wait3A_261 = tpu.memref_slice %arg6[%dma_wait3A_259, %dma_wait3A_260] : memref<5x2000xi32, #tpu.memory_space<vmem>> -> memref<1x2000xi32, #tpu.memory_space<vmem>>
    %dma_wait3A_262 = tpu.memref_squeeze %dma_wait3A_261 : memref<1x2000xi32, #tpu.memory_space<vmem>> -> memref<2000xi32, #tpu.memory_space<vmem>>
    %dma_wait3A_263 = tpu.memref_slice %arg2[%dma_wait3A_258, %mul3A_113] : memref<2x320000xi32, #tpu.memory_space<hbm>> -> memref<1x2000xi32, #tpu.memory_space<hbm>>
    %dma_wait3A_264 = tpu.memref_squeeze %dma_wait3A_263 : memref<1x2000xi32, #tpu.memory_space<hbm>> -> memref<2000xi32, #tpu.memory_space<hbm>>
    %dma_wait3A_265 = arith.constant 0 : i32
    %dma_wait3A_266 = tpu.memref_slice %arg6[%dma_wait3A_259, %dma_wait3A_265] : memref<5x2000xi32, #tpu.memory_space<vmem>> -> memref<1x2000xi32, #tpu.memory_space<vmem>>
    %dma_wait3A_267 = tpu.memref_squeeze %dma_wait3A_266 : memref<1x2000xi32, #tpu.memory_space<vmem>> -> memref<2000xi32, #tpu.memory_space<vmem>>
    %dma_wait3A_268 = tpu.memref_slice %arg2[%dma_wait3A_258, %mul3A_113] : memref<2x320000xi32, #tpu.memory_space<hbm>> -> memref<1x2000xi32, #tpu.memory_space<hbm>>
    %dma_wait3A_269 = tpu.memref_squeeze %dma_wait3A_268 : memref<1x2000xi32, #tpu.memory_space<hbm>> -> memref<2000xi32, #tpu.memory_space<hbm>>
    tpu.wait_dma2 semaphore(%arg11 : memref<!tpu.dma_semaphore, #tpu.memory_space<semaphore_mem>>) src(%dma_wait3A_269 : memref<2000xi32, #tpu.memory_space<hbm>>) dst(%dma_wait3A_267 : memref<2000xi32, #tpu.memory_space<vmem>>)
    %dma_wait3A_270 = arith.constant 1 : i32
    %dma_wait3A_271 = arith.constant 2 : i32
    %dma_wait3A_272 = arith.constant 0 : i32
    %dma_wait3A_273 = tpu.memref_slice %arg6[%dma_wait3A_271, %dma_wait3A_272] : memref<5x2000xi32, #tpu.memory_space<vmem>> -> memref<1x2000xi32, #tpu.memory_space<vmem>>
    %dma_wait3A_274 = tpu.memref_squeeze %dma_wait3A_273 : memref<1x2000xi32, #tpu.memory_space<vmem>> -> memref<2000xi32, #tpu.memory_space<vmem>>
    %dma_wait3A_275 = tpu.memref_slice %arg2[%dma_wait3A_270, %mul3A_131] : memref<2x320000xi32, #tpu.memory_space<hbm>> -> memref<1x2000xi32, #tpu.memory_space<hbm>>
    %dma_wait3A_276 = tpu.memref_squeeze %dma_wait3A_275 : memref<1x2000xi32, #tpu.memory_space<hbm>> -> memref<2000xi32, #tpu.memory_space<hbm>>
    %dma_wait3A_277 = arith.constant 0 : i32
    %dma_wait3A_278 = tpu.memref_slice %arg6[%dma_wait3A_271, %dma_wait3A_277] : memref<5x2000xi32, #tpu.memory_space<vmem>> -> memref<1x2000xi32, #tpu.memory_space<vmem>>
    %dma_wait3A_279 = tpu.memref_squeeze %dma_wait3A_278 : memref<1x2000xi32, #tpu.memory_space<vmem>> -> memref<2000xi32, #tpu.memory_space<vmem>>
    %dma_wait3A_280 = tpu.memref_slice %arg2[%dma_wait3A_270, %mul3A_131] : memref<2x320000xi32, #tpu.memory_space<hbm>> -> memref<1x2000xi32, #tpu.memory_space<hbm>>
    %dma_wait3A_281 = tpu.memref_squeeze %dma_wait3A_280 : memref<1x2000xi32, #tpu.memory_space<hbm>> -> memref<2000xi32, #tpu.memory_space<hbm>>
    tpu.wait_dma2 semaphore(%arg11 : memref<!tpu.dma_semaphore, #tpu.memory_space<semaphore_mem>>) src(%dma_wait3A_281 : memref<2000xi32, #tpu.memory_space<hbm>>) dst(%dma_wait3A_279 : memref<2000xi32, #tpu.memory_space<vmem>>)
    %dma_wait3A_282 = arith.constant 1 : i32
    %dma_wait3A_283 = arith.constant 3 : i32
    %dma_wait3A_284 = arith.constant 0 : i32
    %dma_wait3A_285 = tpu.memref_slice %arg6[%dma_wait3A_283, %dma_wait3A_284] : memref<5x2000xi32, #tpu.memory_space<vmem>> -> memref<1x2000xi32, #tpu.memory_space<vmem>>
    %dma_wait3A_286 = tpu.memref_squeeze %dma_wait3A_285 : memref<1x2000xi32, #tpu.memory_space<vmem>> -> memref<2000xi32, #tpu.memory_space<vmem>>
    %dma_wait3A_287 = tpu.memref_slice %arg2[%dma_wait3A_282, %mul3A_149] : memref<2x320000xi32, #tpu.memory_space<hbm>> -> memref<1x2000xi32, #tpu.memory_space<hbm>>
    %dma_wait3A_288 = tpu.memref_squeeze %dma_wait3A_287 : memref<1x2000xi32, #tpu.memory_space<hbm>> -> memref<2000xi32, #tpu.memory_space<hbm>>
    %dma_wait3A_289 = arith.constant 0 : i32
    %dma_wait3A_290 = tpu.memref_slice %arg6[%dma_wait3A_283, %dma_wait3A_289] : memref<5x2000xi32, #tpu.memory_space<vmem>> -> memref<1x2000xi32, #tpu.memory_space<vmem>>
    %dma_wait3A_291 = tpu.memref_squeeze %dma_wait3A_290 : memref<1x2000xi32, #tpu.memory_space<vmem>> -> memref<2000xi32, #tpu.memory_space<vmem>>
    %dma_wait3A_292 = tpu.memref_slice %arg2[%dma_wait3A_282, %mul3A_149] : memref<2x320000xi32, #tpu.memory_space<hbm>> -> memref<1x2000xi32, #tpu.memory_space<hbm>>
    %dma_wait3A_293 = tpu.memref_squeeze %dma_wait3A_292 : memref<1x2000xi32, #tpu.memory_space<hbm>> -> memref<2000xi32, #tpu.memory_space<hbm>>
    tpu.wait_dma2 semaphore(%arg11 : memref<!tpu.dma_semaphore, #tpu.memory_space<semaphore_mem>>) src(%dma_wait3A_293 : memref<2000xi32, #tpu.memory_space<hbm>>) dst(%dma_wait3A_291 : memref<2000xi32, #tpu.memory_space<vmem>>)
    %dma_wait3A_294 = arith.constant 1 : i32
    %dma_wait3A_295 = arith.constant 4 : i32
    %dma_wait3A_296 = arith.constant 0 : i32
    %dma_wait3A_297 = tpu.memref_slice %arg6[%dma_wait3A_295, %dma_wait3A_296] : memref<5x2000xi32, #tpu.memory_space<vmem>> -> memref<1x2000xi32, #tpu.memory_space<vmem>>
    %dma_wait3A_298 = tpu.memref_squeeze %dma_wait3A_297 : memref<1x2000xi32, #tpu.memory_space<vmem>> -> memref<2000xi32, #tpu.memory_space<vmem>>
    %dma_wait3A_299 = tpu.memref_slice %arg2[%dma_wait3A_294, %mul3A_167] : memref<2x320000xi32, #tpu.memory_space<hbm>> -> memref<1x2000xi32, #tpu.memory_space<hbm>>
    %dma_wait3A_300 = tpu.memref_squeeze %dma_wait3A_299 : memref<1x2000xi32, #tpu.memory_space<hbm>> -> memref<2000xi32, #tpu.memory_space<hbm>>
    %dma_wait3A_301 = arith.constant 0 : i32
    %dma_wait3A_302 = tpu.memref_slice %arg6[%dma_wait3A_295, %dma_wait3A_301] : memref<5x2000xi32, #tpu.memory_space<vmem>> -> memref<1x2000xi32, #tpu.memory_space<vmem>>
    %dma_wait3A_303 = tpu.memref_squeeze %dma_wait3A_302 : memref<1x2000xi32, #tpu.memory_space<vmem>> -> memref<2000xi32, #tpu.memory_space<vmem>>
    %dma_wait3A_304 = tpu.memref_slice %arg2[%dma_wait3A_294, %mul3A_167] : memref<2x320000xi32, #tpu.memory_space<hbm>> -> memref<1x2000xi32, #tpu.memory_space<hbm>>
    %dma_wait3A_305 = tpu.memref_squeeze %dma_wait3A_304 : memref<1x2000xi32, #tpu.memory_space<hbm>> -> memref<2000xi32, #tpu.memory_space<hbm>>
    tpu.wait_dma2 semaphore(%arg11 : memref<!tpu.dma_semaphore, #tpu.memory_space<semaphore_mem>>) src(%dma_wait3A_305 : memref<2000xi32, #tpu.memory_space<hbm>>) dst(%dma_wait3A_303 : memref<2000xi32, #tpu.memory_space<vmem>>)
    %barrier3A = arith.constant 0 : index
    tpu.barrier barrier_id(%barrier3A)
    %dma_start3A_306 = arith.constant 0 : i32
    %dma_start3A_307 = arith.constant 0 : i32
    %dma_start3A_308 = tpu.memref_slice %arg5[%dma_start3A_306, %dma_start3A_307] : memref<5x2000xi32, #tpu.memory_space<vmem>> -> memref<1x2000xi32, #tpu.memory_space<vmem>>
    %dma_start3A_309 = tpu.memref_squeeze %dma_start3A_308 : memref<1x2000xi32, #tpu.memory_space<vmem>> -> memref<2000xi32, #tpu.memory_space<vmem>>
    %dma_start3A_310 = arith.constant 0 : i32
    %dma_start3A_311 = arith.constant 0 : i32
    %dma_start3A_312 = tpu.memref_slice %arg3[%dma_start3A_310, %dma_start3A_311] : memref<10000x16xf32, #tpu.memory_space<hbm>> -> memref<10000x16xf32, #tpu.memory_space<hbm>>
    tpu.enqueue_indirect_dma source(%dma_start3A_312 : memref<10000x16xf32, #tpu.memory_space<hbm>>) target(%arg7 : memref<2000x16xf32, #tpu.memory_space<vmem>>) offsets(%dma_start3A_309 : memref<2000xi32, #tpu.memory_space<vmem>>) semaphore(%arg12 : memref<!tpu.dma_semaphore, #tpu.memory_space<semaphore_mem>>)
    %dma_wait3A_313 = arith.constant 0 : i32
    %dma_wait3A_314 = arith.constant 0 : i32
    %dma_wait3A_315 = tpu.memref_slice %arg5[%dma_wait3A_313, %dma_wait3A_314] : memref<5x2000xi32, #tpu.memory_space<vmem>> -> memref<1x2000xi32, #tpu.memory_space<vmem>>
    %dma_wait3A_316 = tpu.memref_squeeze %dma_wait3A_315 : memref<1x2000xi32, #tpu.memory_space<vmem>> -> memref<2000xi32, #tpu.memory_space<vmem>>
    %dma_wait3A_317 = arith.constant 0 : i32
    %dma_wait3A_318 = arith.constant 0 : i32
    %dma_wait3A_319 = tpu.memref_slice %arg3[%dma_wait3A_317, %dma_wait3A_318] : memref<10000x16xf32, #tpu.memory_space<hbm>> -> memref<10000x16xf32, #tpu.memory_space<hbm>>
    tpu.wait_indirect_dma semaphore(%arg12 : memref<!tpu.dma_semaphore, #tpu.memory_space<semaphore_mem>>) src(%dma_wait3A_319 : memref<10000x16xf32, #tpu.memory_space<hbm>>) dst(%arg7 : memref<2000x16xf32, #tpu.memory_space<vmem>>)
    %dma_start3A_320 = arith.constant 1 : i32
    %dma_start3A_321 = arith.constant 0 : i32
    %dma_start3A_322 = tpu.memref_slice %arg5[%dma_start3A_320, %dma_start3A_321] : memref<5x2000xi32, #tpu.memory_space<vmem>> -> memref<1x2000xi32, #tpu.memory_space<vmem>>
    %dma_start3A_323 = tpu.memref_squeeze %dma_start3A_322 : memref<1x2000xi32, #tpu.memory_space<vmem>> -> memref<2000xi32, #tpu.memory_space<vmem>>
    %dma_start3A_324 = arith.constant 0 : i32
    %dma_start3A_325 = arith.constant 0 : i32
    %dma_start3A_326 = tpu.memref_slice %arg3[%dma_start3A_324, %dma_start3A_325] : memref<10000x16xf32, #tpu.memory_space<hbm>> -> memref<10000x16xf32, #tpu.memory_space<hbm>>
    tpu.enqueue_indirect_dma source(%dma_start3A_326 : memref<10000x16xf32, #tpu.memory_space<hbm>>) target(%arg8 : memref<2000x16xf32, #tpu.memory_space<vmem>>) offsets(%dma_start3A_323 : memref<2000xi32, #tpu.memory_space<vmem>>) semaphore(%arg13 : memref<!tpu.dma_semaphore, #tpu.memory_space<semaphore_mem>>)
    %run_scoped3A = arith.constant 0 : i32
    "tpu.region"() ({
      %run_scoped3A_385 = tpu.sem_alloc : memref<!tpu.dma_semaphore, #tpu.memory_space<semaphore_mem>>
      %dma_start3A_386 = arith.constant 0 : i32
      %dma_start3A_387 = tpu.memref_slice %arg6[%run_scoped3A, %dma_start3A_386] : memref<5x2000xi32, #tpu.memory_space<vmem>> -> memref<1x2000xi32, #tpu.memory_space<vmem>>
      %dma_start3A_388 = tpu.memref_squeeze %dma_start3A_387 : memref<1x2000xi32, #tpu.memory_space<vmem>> -> memref<2000xi32, #tpu.memory_space<vmem>>
      %dma_start3A_389 = arith.constant 0 : i32
      %dma_start3A_390 = arith.constant 0 : i32
      %dma_start3A_391 = tpu.memref_slice %arg10[%dma_start3A_389, %dma_start3A_390] : memref<10240x16xf32, #tpu.memory_space<vmem_shared>> -> memref<10240x16xf32, #tpu.memory_space<vmem_shared>>
      tpu.enqueue_indirect_dma source(%arg7 : memref<2000x16xf32, #tpu.memory_space<vmem>>) target(%dma_start3A_391 : memref<10240x16xf32, #tpu.memory_space<vmem_shared>>) offsets(%dma_start3A_388 : memref<2000xi32, #tpu.memory_space<vmem>>) semaphore(%run_scoped3A_385 : memref<!tpu.dma_semaphore, #tpu.memory_space<semaphore_mem>>) {add = true}
      %dma_wait3A_392 = arith.constant 0 : i32
      %dma_wait3A_393 = tpu.memref_slice %arg6[%run_scoped3A, %dma_wait3A_392] : memref<5x2000xi32, #tpu.memory_space<vmem>> -> memref<1x2000xi32, #tpu.memory_space<vmem>>
      %dma_wait3A_394 = tpu.memref_squeeze %dma_wait3A_393 : memref<1x2000xi32, #tpu.memory_space<vmem>> -> memref<2000xi32, #tpu.memory_space<vmem>>
      %dma_wait3A_395 = arith.constant 0 : i32
      %dma_wait3A_396 = arith.constant 0 : i32
      %dma_wait3A_397 = tpu.memref_slice %arg10[%dma_wait3A_395, %dma_wait3A_396] : memref<10240x16xf32, #tpu.memory_space<vmem_shared>> -> memref<10240x16xf32, #tpu.memory_space<vmem_shared>>
      tpu.wait_indirect_dma semaphore(%run_scoped3A_385 : memref<!tpu.dma_semaphore, #tpu.memory_space<semaphore_mem>>) src(%arg7 : memref<2000x16xf32, #tpu.memory_space<vmem>>) dst(%dma_wait3A_397 : memref<10240x16xf32, #tpu.memory_space<vmem_shared>>)
      tpu.yield
    }) : () -> ()
    %dma_wait3A_327 = arith.constant 1 : i32
    %dma_wait3A_328 = arith.constant 0 : i32
    %dma_wait3A_329 = tpu.memref_slice %arg5[%dma_wait3A_327, %dma_wait3A_328] : memref<5x2000xi32, #tpu.memory_space<vmem>> -> memref<1x2000xi32, #tpu.memory_space<vmem>>
    %dma_wait3A_330 = tpu.memref_squeeze %dma_wait3A_329 : memref<1x2000xi32, #tpu.memory_space<vmem>> -> memref<2000xi32, #tpu.memory_space<vmem>>
    %dma_wait3A_331 = arith.constant 0 : i32
    %dma_wait3A_332 = arith.constant 0 : i32
    %dma_wait3A_333 = tpu.memref_slice %arg3[%dma_wait3A_331, %dma_wait3A_332] : memref<10000x16xf32, #tpu.memory_space<hbm>> -> memref<10000x16xf32, #tpu.memory_space<hbm>>
    tpu.wait_indirect_dma semaphore(%arg13 : memref<!tpu.dma_semaphore, #tpu.memory_space<semaphore_mem>>) src(%dma_wait3A_333 : memref<10000x16xf32, #tpu.memory_space<hbm>>) dst(%arg8 : memref<2000x16xf32, #tpu.memory_space<vmem>>)
    %dma_start3A_334 = arith.constant 2 : i32
    %dma_start3A_335 = arith.constant 0 : i32
    %dma_start3A_336 = tpu.memref_slice %arg5[%dma_start3A_334, %dma_start3A_335] : memref<5x2000xi32, #tpu.memory_space<vmem>> -> memref<1x2000xi32, #tpu.memory_space<vmem>>
    %dma_start3A_337 = tpu.memref_squeeze %dma_start3A_336 : memref<1x2000xi32, #tpu.memory_space<vmem>> -> memref<2000xi32, #tpu.memory_space<vmem>>
    %dma_start3A_338 = arith.constant 0 : i32
    %dma_start3A_339 = arith.constant 0 : i32
    %dma_start3A_340 = tpu.memref_slice %arg3[%dma_start3A_338, %dma_start3A_339] : memref<10000x16xf32, #tpu.memory_space<hbm>> -> memref<10000x16xf32, #tpu.memory_space<hbm>>
    tpu.enqueue_indirect_dma source(%dma_start3A_340 : memref<10000x16xf32, #tpu.memory_space<hbm>>) target(%arg7 : memref<2000x16xf32, #tpu.memory_space<vmem>>) offsets(%dma_start3A_337 : memref<2000xi32, #tpu.memory_space<vmem>>) semaphore(%arg12 : memref<!tpu.dma_semaphore, #tpu.memory_space<semaphore_mem>>)
    %run_scoped3A_341 = arith.constant 1 : i32
    "tpu.region"() ({
      %run_scoped3A_385 = tpu.sem_alloc : memref<!tpu.dma_semaphore, #tpu.memory_space<semaphore_mem>>
      %dma_start3A_386 = arith.constant 0 : i32
      %dma_start3A_387 = tpu.memref_slice %arg6[%run_scoped3A_341, %dma_start3A_386] : memref<5x2000xi32, #tpu.memory_space<vmem>> -> memref<1x2000xi32, #tpu.memory_space<vmem>>
      %dma_start3A_388 = tpu.memref_squeeze %dma_start3A_387 : memref<1x2000xi32, #tpu.memory_space<vmem>> -> memref<2000xi32, #tpu.memory_space<vmem>>
      %dma_start3A_389 = arith.constant 0 : i32
      %dma_start3A_390 = arith.constant 0 : i32
      %dma_start3A_391 = tpu.memref_slice %arg10[%dma_start3A_389, %dma_start3A_390] : memref<10240x16xf32, #tpu.memory_space<vmem_shared>> -> memref<10240x16xf32, #tpu.memory_space<vmem_shared>>
      tpu.enqueue_indirect_dma source(%arg8 : memref<2000x16xf32, #tpu.memory_space<vmem>>) target(%dma_start3A_391 : memref<10240x16xf32, #tpu.memory_space<vmem_shared>>) offsets(%dma_start3A_388 : memref<2000xi32, #tpu.memory_space<vmem>>) semaphore(%run_scoped3A_385 : memref<!tpu.dma_semaphore, #tpu.memory_space<semaphore_mem>>) {add = true}
      %dma_wait3A_392 = arith.constant 0 : i32
      %dma_wait3A_393 = tpu.memref_slice %arg6[%run_scoped3A_341, %dma_wait3A_392] : memref<5x2000xi32, #tpu.memory_space<vmem>> -> memref<1x2000xi32, #tpu.memory_space<vmem>>
      %dma_wait3A_394 = tpu.memref_squeeze %dma_wait3A_393 : memref<1x2000xi32, #tpu.memory_space<vmem>> -> memref<2000xi32, #tpu.memory_space<vmem>>
      %dma_wait3A_395 = arith.constant 0 : i32
      %dma_wait3A_396 = arith.constant 0 : i32
      %dma_wait3A_397 = tpu.memref_slice %arg10[%dma_wait3A_395, %dma_wait3A_396] : memref<10240x16xf32, #tpu.memory_space<vmem_shared>> -> memref<10240x16xf32, #tpu.memory_space<vmem_shared>>
      tpu.wait_indirect_dma semaphore(%run_scoped3A_385 : memref<!tpu.dma_semaphore, #tpu.memory_space<semaphore_mem>>) src(%arg8 : memref<2000x16xf32, #tpu.memory_space<vmem>>) dst(%dma_wait3A_397 : memref<10240x16xf32, #tpu.memory_space<vmem_shared>>)
      tpu.yield
    }) : () -> ()
    %dma_wait3A_342 = arith.constant 2 : i32
    %dma_wait3A_343 = arith.constant 0 : i32
    %dma_wait3A_344 = tpu.memref_slice %arg5[%dma_wait3A_342, %dma_wait3A_343] : memref<5x2000xi32, #tpu.memory_space<vmem>> -> memref<1x2000xi32, #tpu.memory_space<vmem>>
    %dma_wait3A_345 = tpu.memref_squeeze %dma_wait3A_344 : memref<1x2000xi32, #tpu.memory_space<vmem>> -> memref<2000xi32, #tpu.memory_space<vmem>>
    %dma_wait3A_346 = arith.constant 0 : i32
    %dma_wait3A_347 = arith.constant 0 : i32
    %dma_wait3A_348 = tpu.memref_slice %arg3[%dma_wait3A_346, %dma_wait3A_347] : memref<10000x16xf32, #tpu.memory_space<hbm>> -> memref<10000x16xf32, #tpu.memory_space<hbm>>
    tpu.wait_indirect_dma semaphore(%arg12 : memref<!tpu.dma_semaphore, #tpu.memory_space<semaphore_mem>>) src(%dma_wait3A_348 : memref<10000x16xf32, #tpu.memory_space<hbm>>) dst(%arg7 : memref<2000x16xf32, #tpu.memory_space<vmem>>)
    %dma_start3A_349 = arith.constant 3 : i32
    %dma_start3A_350 = arith.constant 0 : i32
    %dma_start3A_351 = tpu.memref_slice %arg5[%dma_start3A_349, %dma_start3A_350] : memref<5x2000xi32, #tpu.memory_space<vmem>> -> memref<1x2000xi32, #tpu.memory_space<vmem>>
    %dma_start3A_352 = tpu.memref_squeeze %dma_start3A_351 : memref<1x2000xi32, #tpu.memory_space<vmem>> -> memref<2000xi32, #tpu.memory_space<vmem>>
    %dma_start3A_353 = arith.constant 0 : i32
    %dma_start3A_354 = arith.constant 0 : i32
    %dma_start3A_355 = tpu.memref_slice %arg3[%dma_start3A_353, %dma_start3A_354] : memref<10000x16xf32, #tpu.memory_space<hbm>> -> memref<10000x16xf32, #tpu.memory_space<hbm>>
    tpu.enqueue_indirect_dma source(%dma_start3A_355 : memref<10000x16xf32, #tpu.memory_space<hbm>>) target(%arg8 : memref<2000x16xf32, #tpu.memory_space<vmem>>) offsets(%dma_start3A_352 : memref<2000xi32, #tpu.memory_space<vmem>>) semaphore(%arg13 : memref<!tpu.dma_semaphore, #tpu.memory_space<semaphore_mem>>)
    %run_scoped3A_356 = arith.constant 2 : i32
    "tpu.region"() ({
      %run_scoped3A_385 = tpu.sem_alloc : memref<!tpu.dma_semaphore, #tpu.memory_space<semaphore_mem>>
      %dma_start3A_386 = arith.constant 0 : i32
      %dma_start3A_387 = tpu.memref_slice %arg6[%run_scoped3A_356, %dma_start3A_386] : memref<5x2000xi32, #tpu.memory_space<vmem>> -> memref<1x2000xi32, #tpu.memory_space<vmem>>
      %dma_start3A_388 = tpu.memref_squeeze %dma_start3A_387 : memref<1x2000xi32, #tpu.memory_space<vmem>> -> memref<2000xi32, #tpu.memory_space<vmem>>
      %dma_start3A_389 = arith.constant 0 : i32
      %dma_start3A_390 = arith.constant 0 : i32
      %dma_start3A_391 = tpu.memref_slice %arg10[%dma_start3A_389, %dma_start3A_390] : memref<10240x16xf32, #tpu.memory_space<vmem_shared>> -> memref<10240x16xf32, #tpu.memory_space<vmem_shared>>
      tpu.enqueue_indirect_dma source(%arg7 : memref<2000x16xf32, #tpu.memory_space<vmem>>) target(%dma_start3A_391 : memref<10240x16xf32, #tpu.memory_space<vmem_shared>>) offsets(%dma_start3A_388 : memref<2000xi32, #tpu.memory_space<vmem>>) semaphore(%run_scoped3A_385 : memref<!tpu.dma_semaphore, #tpu.memory_space<semaphore_mem>>) {add = true}
      %dma_wait3A_392 = arith.constant 0 : i32
      %dma_wait3A_393 = tpu.memref_slice %arg6[%run_scoped3A_356, %dma_wait3A_392] : memref<5x2000xi32, #tpu.memory_space<vmem>> -> memref<1x2000xi32, #tpu.memory_space<vmem>>
      %dma_wait3A_394 = tpu.memref_squeeze %dma_wait3A_393 : memref<1x2000xi32, #tpu.memory_space<vmem>> -> memref<2000xi32, #tpu.memory_space<vmem>>
      %dma_wait3A_395 = arith.constant 0 : i32
      %dma_wait3A_396 = arith.constant 0 : i32
      %dma_wait3A_397 = tpu.memref_slice %arg10[%dma_wait3A_395, %dma_wait3A_396] : memref<10240x16xf32, #tpu.memory_space<vmem_shared>> -> memref<10240x16xf32, #tpu.memory_space<vmem_shared>>
      tpu.wait_indirect_dma semaphore(%run_scoped3A_385 : memref<!tpu.dma_semaphore, #tpu.memory_space<semaphore_mem>>) src(%arg7 : memref<2000x16xf32, #tpu.memory_space<vmem>>) dst(%dma_wait3A_397 : memref<10240x16xf32, #tpu.memory_space<vmem_shared>>)
      tpu.yield
    }) : () -> ()
    %dma_wait3A_357 = arith.constant 3 : i32
    %dma_wait3A_358 = arith.constant 0 : i32
    %dma_wait3A_359 = tpu.memref_slice %arg5[%dma_wait3A_357, %dma_wait3A_358] : memref<5x2000xi32, #tpu.memory_space<vmem>> -> memref<1x2000xi32, #tpu.memory_space<vmem>>
    %dma_wait3A_360 = tpu.memref_squeeze %dma_wait3A_359 : memref<1x2000xi32, #tpu.memory_space<vmem>> -> memref<2000xi32, #tpu.memory_space<vmem>>
    %dma_wait3A_361 = arith.constant 0 : i32
    %dma_wait3A_362 = arith.constant 0 : i32
    %dma_wait3A_363 = tpu.memref_slice %arg3[%dma_wait3A_361, %dma_wait3A_362] : memref<10000x16xf32, #tpu.memory_space<hbm>> -> memref<10000x16xf32, #tpu.memory_space<hbm>>
    tpu.wait_indirect_dma semaphore(%arg13 : memref<!tpu.dma_semaphore, #tpu.memory_space<semaphore_mem>>) src(%dma_wait3A_363 : memref<10000x16xf32, #tpu.memory_space<hbm>>) dst(%arg8 : memref<2000x16xf32, #tpu.memory_space<vmem>>)
    %dma_start3A_364 = arith.constant 4 : i32
    %dma_start3A_365 = arith.constant 0 : i32
    %dma_start3A_366 = tpu.memref_slice %arg5[%dma_start3A_364, %dma_start3A_365] : memref<5x2000xi32, #tpu.memory_space<vmem>> -> memref<1x2000xi32, #tpu.memory_space<vmem>>
    %dma_start3A_367 = tpu.memref_squeeze %dma_start3A_366 : memref<1x2000xi32, #tpu.memory_space<vmem>> -> memref<2000xi32, #tpu.memory_space<vmem>>
    %dma_start3A_368 = arith.constant 0 : i32
    %dma_start3A_369 = arith.constant 0 : i32
    %dma_start3A_370 = tpu.memref_slice %arg3[%dma_start3A_368, %dma_start3A_369] : memref<10000x16xf32, #tpu.memory_space<hbm>> -> memref<10000x16xf32, #tpu.memory_space<hbm>>
    tpu.enqueue_indirect_dma source(%dma_start3A_370 : memref<10000x16xf32, #tpu.memory_space<hbm>>) target(%arg7 : memref<2000x16xf32, #tpu.memory_space<vmem>>) offsets(%dma_start3A_367 : memref<2000xi32, #tpu.memory_space<vmem>>) semaphore(%arg12 : memref<!tpu.dma_semaphore, #tpu.memory_space<semaphore_mem>>)
    %run_scoped3A_371 = arith.constant 3 : i32
    "tpu.region"() ({
      %run_scoped3A_385 = tpu.sem_alloc : memref<!tpu.dma_semaphore, #tpu.memory_space<semaphore_mem>>
      %dma_start3A_386 = arith.constant 0 : i32
      %dma_start3A_387 = tpu.memref_slice %arg6[%run_scoped3A_371, %dma_start3A_386] : memref<5x2000xi32, #tpu.memory_space<vmem>> -> memref<1x2000xi32, #tpu.memory_space<vmem>>
      %dma_start3A_388 = tpu.memref_squeeze %dma_start3A_387 : memref<1x2000xi32, #tpu.memory_space<vmem>> -> memref<2000xi32, #tpu.memory_space<vmem>>
      %dma_start3A_389 = arith.constant 0 : i32
      %dma_start3A_390 = arith.constant 0 : i32
      %dma_start3A_391 = tpu.memref_slice %arg10[%dma_start3A_389, %dma_start3A_390] : memref<10240x16xf32, #tpu.memory_space<vmem_shared>> -> memref<10240x16xf32, #tpu.memory_space<vmem_shared>>
      tpu.enqueue_indirect_dma source(%arg8 : memref<2000x16xf32, #tpu.memory_space<vmem>>) target(%dma_start3A_391 : memref<10240x16xf32, #tpu.memory_space<vmem_shared>>) offsets(%dma_start3A_388 : memref<2000xi32, #tpu.memory_space<vmem>>) semaphore(%run_scoped3A_385 : memref<!tpu.dma_semaphore, #tpu.memory_space<semaphore_mem>>) {add = true}
      %dma_wait3A_392 = arith.constant 0 : i32
      %dma_wait3A_393 = tpu.memref_slice %arg6[%run_scoped3A_371, %dma_wait3A_392] : memref<5x2000xi32, #tpu.memory_space<vmem>> -> memref<1x2000xi32, #tpu.memory_space<vmem>>
      %dma_wait3A_394 = tpu.memref_squeeze %dma_wait3A_393 : memref<1x2000xi32, #tpu.memory_space<vmem>> -> memref<2000xi32, #tpu.memory_space<vmem>>
      %dma_wait3A_395 = arith.constant 0 : i32
      %dma_wait3A_396 = arith.constant 0 : i32
      %dma_wait3A_397 = tpu.memref_slice %arg10[%dma_wait3A_395, %dma_wait3A_396] : memref<10240x16xf32, #tpu.memory_space<vmem_shared>> -> memref<10240x16xf32, #tpu.memory_space<vmem_shared>>
      tpu.wait_indirect_dma semaphore(%run_scoped3A_385 : memref<!tpu.dma_semaphore, #tpu.memory_space<semaphore_mem>>) src(%arg8 : memref<2000x16xf32, #tpu.memory_space<vmem>>) dst(%dma_wait3A_397 : memref<10240x16xf32, #tpu.memory_space<vmem_shared>>)
      tpu.yield
    }) : () -> ()
    %dma_wait3A_372 = arith.constant 4 : i32
    %dma_wait3A_373 = arith.constant 0 : i32
    %dma_wait3A_374 = tpu.memref_slice %arg5[%dma_wait3A_372, %dma_wait3A_373] : memref<5x2000xi32, #tpu.memory_space<vmem>> -> memref<1x2000xi32, #tpu.memory_space<vmem>>
    %dma_wait3A_375 = tpu.memref_squeeze %dma_wait3A_374 : memref<1x2000xi32, #tpu.memory_space<vmem>> -> memref<2000xi32, #tpu.memory_space<vmem>>
    %dma_wait3A_376 = arith.constant 0 : i32
    %dma_wait3A_377 = arith.constant 0 : i32
    %dma_wait3A_378 = tpu.memref_slice %arg3[%dma_wait3A_376, %dma_wait3A_377] : memref<10000x16xf32, #tpu.memory_space<hbm>> -> memref<10000x16xf32, #tpu.memory_space<hbm>>
    tpu.wait_indirect_dma semaphore(%arg12 : memref<!tpu.dma_semaphore, #tpu.memory_space<semaphore_mem>>) src(%dma_wait3A_378 : memref<10000x16xf32, #tpu.memory_space<hbm>>) dst(%arg7 : memref<2000x16xf32, #tpu.memory_space<vmem>>)
    %run_scoped3A_379 = arith.constant 4 : i32
    "tpu.region"() ({
      %run_scoped3A_385 = tpu.sem_alloc : memref<!tpu.dma_semaphore, #tpu.memory_space<semaphore_mem>>
      %dma_start3A_386 = arith.constant 0 : i32
      %dma_start3A_387 = tpu.memref_slice %arg6[%run_scoped3A_379, %dma_start3A_386] : memref<5x2000xi32, #tpu.memory_space<vmem>> -> memref<1x2000xi32, #tpu.memory_space<vmem>>
      %dma_start3A_388 = tpu.memref_squeeze %dma_start3A_387 : memref<1x2000xi32, #tpu.memory_space<vmem>> -> memref<2000xi32, #tpu.memory_space<vmem>>
      %dma_start3A_389 = arith.constant 0 : i32
      %dma_start3A_390 = arith.constant 0 : i32
      %dma_start3A_391 = tpu.memref_slice %arg10[%dma_start3A_389, %dma_start3A_390] : memref<10240x16xf32, #tpu.memory_space<vmem_shared>> -> memref<10240x16xf32, #tpu.memory_space<vmem_shared>>
      tpu.enqueue_indirect_dma source(%arg7 : memref<2000x16xf32, #tpu.memory_space<vmem>>) target(%dma_start3A_391 : memref<10240x16xf32, #tpu.memory_space<vmem_shared>>) offsets(%dma_start3A_388 : memref<2000xi32, #tpu.memory_space<vmem>>) semaphore(%run_scoped3A_385 : memref<!tpu.dma_semaphore, #tpu.memory_space<semaphore_mem>>) {add = true}
      %dma_wait3A_392 = arith.constant 0 : i32
      %dma_wait3A_393 = tpu.memref_slice %arg6[%run_scoped3A_379, %dma_wait3A_392] : memref<5x2000xi32, #tpu.memory_space<vmem>> -> memref<1x2000xi32, #tpu.memory_space<vmem>>
      %dma_wait3A_394 = tpu.memref_squeeze %dma_wait3A_393 : memref<1x2000xi32, #tpu.memory_space<vmem>> -> memref<2000xi32, #tpu.memory_space<vmem>>
      %dma_wait3A_395 = arith.constant 0 : i32
      %dma_wait3A_396 = arith.constant 0 : i32
      %dma_wait3A_397 = tpu.memref_slice %arg10[%dma_wait3A_395, %dma_wait3A_396] : memref<10240x16xf32, #tpu.memory_space<vmem_shared>> -> memref<10240x16xf32, #tpu.memory_space<vmem_shared>>
      tpu.wait_indirect_dma semaphore(%run_scoped3A_385 : memref<!tpu.dma_semaphore, #tpu.memory_space<semaphore_mem>>) src(%arg7 : memref<2000x16xf32, #tpu.memory_space<vmem>>) dst(%dma_wait3A_397 : memref<10240x16xf32, #tpu.memory_space<vmem_shared>>)
      tpu.yield
    }) : () -> ()
    %barrier3A_380 = arith.constant 0 : index
    tpu.barrier barrier_id(%barrier3A_380)
    %mul3A_381 = arith.constant 640 : i32
    %mul3A_382 = arith.muli %arg1, %mul3A_381 : i32
    %mul3A_383 = arith.constant 640 : i32
    %mul3A_384 = arith.muli %arg1, %mul3A_383 : i32
    "tpu.region"() ({
      %run_scoped3A_385 = tpu.sem_alloc : memref<!tpu.dma_semaphore, #tpu.memory_space<semaphore_mem>>
      %dma_start3A_386 = arith.constant 0 : i32
      %dma_start3A_387 = tpu.memref_slice %arg4[%arg0, %mul3A_384, %dma_start3A_386] : memref<2x10240x16xf32, #tpu.memory_space<hbm>> -> memref<1x640x16xf32, #tpu.memory_space<hbm>>
      %dma_start3A_388 = tpu.memref_squeeze %dma_start3A_387 : memref<1x640x16xf32, #tpu.memory_space<hbm>> -> memref<640x16xf32, #tpu.memory_space<hbm>>
      %dma_start3A_389 = arith.constant 0 : i32
      %dma_start3A_390 = tpu.memref_slice %arg10[%mul3A_382, %dma_start3A_389] : memref<10240x16xf32, #tpu.memory_space<vmem_shared>> -> memref<640x16xf32, #tpu.memory_space<vmem_shared>>
      tpu.enqueue_dma source(%dma_start3A_390 : memref<640x16xf32, #tpu.memory_space<vmem_shared>>) target(%dma_start3A_388 : memref<640x16xf32, #tpu.memory_space<hbm>>) target_semaphore(%run_scoped3A_385 : memref<!tpu.dma_semaphore, #tpu.memory_space<semaphore_mem>>)
      %dma_wait3A_391 = arith.constant 0 : i32
      %dma_wait3A_392 = tpu.memref_slice %arg4[%arg0, %mul3A_384, %dma_wait3A_391] : memref<2x10240x16xf32, #tpu.memory_space<hbm>> -> memref<1x640x16xf32, #tpu.memory_space<hbm>>
      %dma_wait3A_393 = tpu.memref_squeeze %dma_wait3A_392 : memref<1x640x16xf32, #tpu.memory_space<hbm>> -> memref<640x16xf32, #tpu.memory_space<hbm>>
      %dma_wait3A_394 = arith.constant 0 : i32
      %dma_wait3A_395 = tpu.memref_slice %arg10[%mul3A_382, %dma_wait3A_394] : memref<10240x16xf32, #tpu.memory_space<vmem_shared>> -> memref<640x16xf32, #tpu.memory_space<vmem_shared>>
      tpu.wait_dma2 semaphore(%run_scoped3A_385 : memref<!tpu.dma_semaphore, #tpu.memory_space<semaphore_mem>>) src(%dma_wait3A_395 : memref<640x16xf32, #tpu.memory_space<vmem_shared>>) dst(%dma_wait3A_393 : memref<640x16xf32, #tpu.memory_space<hbm>>)
      tpu.yield
    }) : () -> ()
    return
  }
}

module attributes {stable_mosaic.version = 14 : i64} {
  func.func @_praw_body(%arg0: memref<10000x128xf32, #tpu.memory_space<vmem>>, %arg1: memref<128x16xf32, #tpu.memory_space<vmem>>, %arg2: memref<10000x16xf32, #tpu.memory_space<vmem>>) attributes {dimension_semantics = [], scalar_prefetch = 0 : i64, scratch_operands = 0 : i64, tpu.core_type = #tpu.core_type<tc>} {
    %get3A = arith.constant 0 : index
    %get3A_0 = arith.constant 0 : index
    %get3A_1 = vector.load %arg0[%get3A, %get3A_0] : memref<10000x128xf32, #tpu.memory_space<vmem>>, vector<10000x128xf32>
    %get3A_2 = arith.constant 0 : index
    %get3A_3 = arith.constant 0 : index
    %get3A_4 = vector.load %arg1[%get3A_2, %get3A_3] : memref<128x16xf32, #tpu.memory_space<vmem>>, vector<128x16xf32>
    %dot_general3A = arith.constant dense<0.000000e+00> : vector<10000x16xf32>
    %dot_general3A_5 = tpu.matmul %get3A_1, %get3A_4, %dot_general3A {dimension_numbers = #tpu.dot_dimension_numbers<[1], [0], [0], [1], [0, 0, 1, 1], [], []>, transpose_lhs_hint = false} : vector<10000x128xf32>, vector<128x16xf32>, vector<10000x16xf32> -> vector<10000x16xf32>
    %swap3A = arith.constant 0 : index
    %swap3A_6 = arith.constant 0 : index
    %swap3A_7 = vector.load %arg2[%swap3A, %swap3A_6] : memref<10000x16xf32, #tpu.memory_space<vmem>>, vector<10000x16xf32>
    tpu.vector_store %arg2[%swap3A, %swap3A_6], %dot_general3A_5 {strides = array<i32>} : memref<10000x16xf32, #tpu.memory_space<vmem>>, vector<10000x16xf32>,
    return
  }
}

module attributes {stable_mosaic.version = 14 : i64} {
  func.func @_pscale_body(%arg0: memref<2x10240xf32, #tpu.memory_space<vmem>>, %arg1: memref<10000x16xf32, #tpu.memory_space<vmem>>, %arg2: memref<10000x16xf32, #tpu.memory_space<vmem>>) attributes {dimension_semantics = [], scalar_prefetch = 0 : i64, scratch_operands = 0 : i64, tpu.core_type = #tpu.core_type<tc>} {
    %get3A = arith.constant 0 : index
    %get3A_0 = arith.constant 0 : index
    %get3A_1 = vector.load %arg0[%get3A, %get3A_0] : memref<2x10240xf32, #tpu.memory_space<vmem>>, vector<2x10240xf32>
    %slice3A = vector.extract_strided_slice %get3A_1 {offsets = [0, 0], sizes = [1, 10000], strides = [1, 1]} : vector<2x10240xf32> to vector<1x10000xf32>
    %slice3A_2 = vector.extract_strided_slice %get3A_1 {offsets = [1, 0], sizes = [1, 10000], strides = [1, 1]} : vector<2x10240xf32> to vector<1x10000xf32>
    %add3A = arith.addf %slice3A, %slice3A_2 : vector<1x10000xf32>
    %max3A = arith.constant 1.000000e+00 : f32
    %max3A_3 = vector.broadcast %max3A : f32 to vector<1x10000xf32>
    %max3A_4 = arith.maximumf %add3A, %max3A_3 : vector<1x10000xf32>
    %rsqrt3A = math.rsqrt %max3A_4 : vector<1x10000xf32>
    %transpose3A = tpu.transpose %rsqrt3A, [1, 0] : vector<1x10000xf32> -> vector<10000x1xf32>
    %get3A_5 = arith.constant 0 : index
    %get3A_6 = arith.constant 0 : index
    %get3A_7 = vector.load %arg1[%get3A_5, %get3A_6] : memref<10000x16xf32, #tpu.memory_space<vmem>>, vector<10000x16xf32>
    %mul3A = vector.broadcast %transpose3A : vector<10000x1xf32> to vector<10000x16xf32>
    %mul3A_8 = arith.mulf %get3A_7, %mul3A : vector<10000x16xf32>
    %swap3A = arith.constant 0 : index
    %swap3A_9 = arith.constant 0 : index
    %swap3A_10 = vector.load %arg2[%swap3A, %swap3A_9] : memref<10000x16xf32, #tpu.memory_space<vmem>>, vector<10000x16xf32>
    tpu.vector_store %arg2[%swap3A, %swap3A_9], %mul3A_8 {strides = array<i32>} : memref<10000x16xf32, #tpu.memory_space<vmem>>, vector<10000x16xf32>,
    return
  }
}

module attributes {stable_mosaic.version = 14 : i64} {
  func.func @_emb_body(%arg0: memref<2x10240x16xf32, #tpu.memory_space<vmem>>, %arg1: memref<2x10240xf32, #tpu.memory_space<vmem>>, %arg2: memref<1x16xf32, #tpu.memory_space<vmem>>, %arg3: memref<10000x16xf32, #tpu.memory_space<vmem>>) attributes {dimension_semantics = [], scalar_prefetch = 0 : i64, scratch_operands = 0 : i64, tpu.core_type = #tpu.core_type<tc>} {
    %get3A = arith.constant 0 : index
    %get3A_0 = arith.constant 0 : index
    %get3A_1 = arith.constant 0 : index
    %get3A_2 = vector.load %arg0[%get3A, %get3A_0, %get3A_1] : memref<2x10240x16xf32, #tpu.memory_space<vmem>>, vector<2x10240x16xf32>
    %slice3A = vector.extract_strided_slice %get3A_2 {offsets = [0, 0, 0], sizes = [1, 10000, 16], strides = [1, 1, 1]} : vector<2x10240x16xf32> to vector<1x10000x16xf32>
    %squeeze3A = vector.shape_cast %slice3A : vector<1x10000x16xf32> to vector<10000x16xf32>
    %slice3A_3 = vector.extract_strided_slice %get3A_2 {offsets = [1, 0, 0], sizes = [1, 10000, 16], strides = [1, 1, 1]} : vector<2x10240x16xf32> to vector<1x10000x16xf32>
    %squeeze3A_4 = vector.shape_cast %slice3A_3 : vector<1x10000x16xf32> to vector<10000x16xf32>
    %add3A = arith.addf %squeeze3A, %squeeze3A_4 : vector<10000x16xf32>
    %get3A_5 = arith.constant 0 : index
    %get3A_6 = arith.constant 0 : index
    %get3A_7 = vector.load %arg1[%get3A_5, %get3A_6] : memref<2x10240xf32, #tpu.memory_space<vmem>>, vector<2x10240xf32>
    %slice3A_8 = vector.extract_strided_slice %get3A_7 {offsets = [0, 0], sizes = [1, 10000], strides = [1, 1]} : vector<2x10240xf32> to vector<1x10000xf32>
    %slice3A_9 = vector.extract_strided_slice %get3A_7 {offsets = [1, 0], sizes = [1, 10000], strides = [1, 1]} : vector<2x10240xf32> to vector<1x10000xf32>
    %add3A_10 = arith.addf %slice3A_8, %slice3A_9 : vector<1x10000xf32>
    %max3A = arith.constant 1.000000e+00 : f32
    %max3A_11 = vector.broadcast %max3A : f32 to vector<1x10000xf32>
    %max3A_12 = arith.maximumf %add3A_10, %max3A_11 : vector<1x10000xf32>
    %rsqrt3A = math.rsqrt %max3A_12 : vector<1x10000xf32>
    %transpose3A = tpu.transpose %rsqrt3A, [1, 0] : vector<1x10000xf32> -> vector<10000x1xf32>
    %mul3A = vector.broadcast %transpose3A : vector<10000x1xf32> to vector<10000x16xf32>
    %mul3A_13 = arith.mulf %add3A, %mul3A : vector<10000x16xf32>
    %get3A_14 = arith.constant 0 : index
    %get3A_15 = arith.constant 0 : index
    %get3A_16 = vector.load %arg2[%get3A_14, %get3A_15] : memref<1x16xf32, #tpu.memory_space<vmem>>, vector<1x16xf32>
    %add3A_17 = vector.broadcast %get3A_16 : vector<1x16xf32> to vector<10000x16xf32>
    %add3A_18 = arith.addf %mul3A_13, %add3A_17 : vector<10000x16xf32>
    %max3A_19 = arith.constant 0.000000e+00 : f32
    %max3A_20 = vector.broadcast %max3A_19 : f32 to vector<10000x16xf32>
    %max3A_21 = arith.maximumf %add3A_18, %max3A_20 : vector<10000x16xf32>
    %swap3A = arith.constant 0 : index
    %swap3A_22 = arith.constant 0 : index
    %swap3A_23 = vector.load %arg3[%swap3A, %swap3A_22] : memref<10000x16xf32, #tpu.memory_space<vmem>>, vector<10000x16xf32>
    tpu.vector_store %arg3[%swap3A, %swap3A_22], %max3A_21 {strides = array<i32>} : memref<10000x16xf32, #tpu.memory_space<vmem>>, vector<10000x16xf32>,
    return
  }
}

module attributes {stable_mosaic.version = 14 : i64} {
  func.func @_head_body(%arg0: memref<1x160000xf32, #tpu.memory_space<vmem>>, %arg1: memref<1x256xf32, #tpu.memory_space<vmem>>, %arg2: memref<256x256xf32, #tpu.memory_space<vmem>>, %arg3: memref<1x256xf32, #tpu.memory_space<vmem>>, %arg4: memref<256x4096xf32, #tpu.memory_space<vmem>>, %arg5: memref<1x4096xf32, #tpu.memory_space<vmem>>, %arg6: memref<3x16xf32, #tpu.memory_space<vmem>>, %arg7: memref<1x4096xf32, #tpu.memory_space<vmem>>, %arg8: memref<2x4096xf32, #tpu.memory_space<vmem>>, %arg9: memref<164112x256xf32, #tpu.memory_space<any>>, %arg10: memref<1x4096xf32, #tpu.memory_space<vmem>>, %arg11: memref<8000x256xf32, #tpu.memory_space<vmem>>, %arg12: memref<8000x256xf32, #tpu.memory_space<vmem>>, %arg13: memref<4112x256xf32, #tpu.memory_space<vmem>>, %arg14: memref<!tpu.dma_semaphore, #tpu.memory_space<semaphore_mem>>, %arg15: memref<!tpu.dma_semaphore, #tpu.memory_space<semaphore_mem>>, %arg16: memref<!tpu.dma_semaphore, #tpu.memory_space<semaphore_mem>>) attributes {dimension_semantics = [], scalar_prefetch = 0 : i64, scratch_operands = 6 : i64, tpu.core_type = #tpu.core_type<tc>} {
    %dma_start3A = arith.constant 0 : i32
    %dma_start3A_0 = arith.constant 0 : i32
    %dma_start3A_1 = tpu.memref_slice %arg9[%dma_start3A, %dma_start3A_0] : memref<164112x256xf32, #tpu.memory_space<any>> -> memref<4112x256xf32, #tpu.memory_space<any>>
    tpu.enqueue_dma source(%dma_start3A_1 : memref<4112x256xf32, #tpu.memory_space<any>>) target(%arg13 : memref<4112x256xf32, #tpu.memory_space<vmem>>) target_semaphore(%arg16 : memref<!tpu.dma_semaphore, #tpu.memory_space<semaphore_mem>>)
    %dma_start3A_2 = arith.constant 4112 : i32
    %dma_start3A_3 = arith.constant 0 : i32
    %dma_start3A_4 = tpu.memref_slice %arg9[%dma_start3A_2, %dma_start3A_3] : memref<164112x256xf32, #tpu.memory_space<any>> -> memref<8000x256xf32, #tpu.memory_space<any>>
    tpu.enqueue_dma source(%dma_start3A_4 : memref<8000x256xf32, #tpu.memory_space<any>>) target(%arg11 : memref<8000x256xf32, #tpu.memory_space<vmem>>) target_semaphore(%arg14 : memref<!tpu.dma_semaphore, #tpu.memory_space<semaphore_mem>>)
    %broadcast_in_dim3A = arith.constant 0.000000e+00 : f32
    %broadcast_in_dim3A_5 = vector.broadcast %broadcast_in_dim3A : f32 to vector<1x256xf32>
    %dma_start3A_6 = arith.constant 12112 : i32
    %dma_start3A_7 = arith.constant 0 : i32
    %dma_start3A_8 = tpu.memref_slice %arg9[%dma_start3A_6, %dma_start3A_7] : memref<164112x256xf32, #tpu.memory_space<any>> -> memref<8000x256xf32, #tpu.memory_space<any>>
    tpu.enqueue_dma source(%dma_start3A_8 : memref<8000x256xf32, #tpu.memory_space<any>>) target(%arg12 : memref<8000x256xf32, #tpu.memory_space<vmem>>) target_semaphore(%arg15 : memref<!tpu.dma_semaphore, #tpu.memory_space<semaphore_mem>>)
    %dma_wait3A = arith.constant 4112 : i32
    %dma_wait3A_9 = arith.constant 0 : i32
    %dma_wait3A_10 = tpu.memref_slice %arg9[%dma_wait3A, %dma_wait3A_9] : memref<164112x256xf32, #tpu.memory_space<any>> -> memref<8000x256xf32, #tpu.memory_space<any>>
    tpu.wait_dma2 semaphore(%arg14 : memref<!tpu.dma_semaphore, #tpu.memory_space<semaphore_mem>>) src(%dma_wait3A_10 : memref<8000x256xf32, #tpu.memory_space<any>>) dst(%arg11 : memref<8000x256xf32, #tpu.memory_space<vmem>>)
    %get3A = arith.constant 0 : index
    %get3A_11 = arith.constant 0 : index
    %get3A_12 = vector.load %arg0[%get3A, %get3A_11] : memref<1x160000xf32, #tpu.memory_space<vmem>>, vector<1x8000xf32>
    %get3A_13 = arith.constant 0 : index
    %get3A_14 = arith.constant 0 : index
    %get3A_15 = vector.load %arg11[%get3A_13, %get3A_14] : memref<8000x256xf32, #tpu.memory_space<vmem>>, vector<8000x256xf32>
    %dot_general3A = arith.constant dense<0.000000e+00> : vector<1x256xf32>
    %dot_general3A_16 = tpu.matmul %get3A_12, %get3A_15, %dot_general3A {dimension_numbers = #tpu.dot_dimension_numbers<[1], [0], [0], [1], [0, 0, 1, 1], [], []>, transpose_lhs_hint = false} : vector<1x8000xf32>, vector<8000x256xf32>, vector<1x256xf32> -> vector<1x256xf32>
    %add3A = arith.addf %broadcast_in_dim3A_5, %dot_general3A_16 : vector<1x256xf32>
    %dma_start3A_17 = arith.constant 20112 : i32
    %dma_start3A_18 = arith.constant 0 : i32
    %dma_start3A_19 = tpu.memref_slice %arg9[%dma_start3A_17, %dma_start3A_18] : memref<164112x256xf32, #tpu.memory_space<any>> -> memref<8000x256xf32, #tpu.memory_space<any>>
    tpu.enqueue_dma source(%dma_start3A_19 : memref<8000x256xf32, #tpu.memory_space<any>>) target(%arg11 : memref<8000x256xf32, #tpu.memory_space<vmem>>) target_semaphore(%arg14 : memref<!tpu.dma_semaphore, #tpu.memory_space<semaphore_mem>>)
    %dma_wait3A_20 = arith.constant 12112 : i32
    %dma_wait3A_21 = arith.constant 0 : i32
    %dma_wait3A_22 = tpu.memref_slice %arg9[%dma_wait3A_20, %dma_wait3A_21] : memref<164112x256xf32, #tpu.memory_space<any>> -> memref<8000x256xf32, #tpu.memory_space<any>>
    tpu.wait_dma2 semaphore(%arg15 : memref<!tpu.dma_semaphore, #tpu.memory_space<semaphore_mem>>) src(%dma_wait3A_22 : memref<8000x256xf32, #tpu.memory_space<any>>) dst(%arg12 : memref<8000x256xf32, #tpu.memory_space<vmem>>)
    %get3A_23 = arith.constant 0 : index
    %get3A_24 = arith.constant 8000 : index
    %get3A_25 = vector.load %arg0[%get3A_23, %get3A_24] : memref<1x160000xf32, #tpu.memory_space<vmem>>, vector<1x8000xf32>
    %get3A_26 = arith.constant 0 : index
    %get3A_27 = arith.constant 0 : index
    %get3A_28 = vector.load %arg12[%get3A_26, %get3A_27] : memref<8000x256xf32, #tpu.memory_space<vmem>>, vector<8000x256xf32>
    %dot_general3A_29 = arith.constant dense<0.000000e+00> : vector<1x256xf32>
    %dot_general3A_30 = tpu.matmul %get3A_25, %get3A_28, %dot_general3A_29 {dimension_numbers = #tpu.dot_dimension_numbers<[1], [0], [0], [1], [0, 0, 1, 1], [], []>, transpose_lhs_hint = false} : vector<1x8000xf32>, vector<8000x256xf32>, vector<1x256xf32> -> vector<1x256xf32>
    %add3A_31 = arith.addf %add3A, %dot_general3A_30 : vector<1x256xf32>
    %dma_start3A_32 = arith.constant 28112 : i32
    %dma_start3A_33 = arith.constant 0 : i32
    %dma_start3A_34 = tpu.memref_slice %arg9[%dma_start3A_32, %dma_start3A_33] : memref<164112x256xf32, #tpu.memory_space<any>> -> memref<8000x256xf32, #tpu.memory_space<any>>
    tpu.enqueue_dma source(%dma_start3A_34 : memref<8000x256xf32, #tpu.memory_space<any>>) target(%arg12 : memref<8000x256xf32, #tpu.memory_space<vmem>>) target_semaphore(%arg15 : memref<!tpu.dma_semaphore, #tpu.memory_space<semaphore_mem>>)
    %dma_wait3A_35 = arith.constant 20112 : i32
    %dma_wait3A_36 = arith.constant 0 : i32
    %dma_wait3A_37 = tpu.memref_slice %arg9[%dma_wait3A_35, %dma_wait3A_36] : memref<164112x256xf32, #tpu.memory_space<any>> -> memref<8000x256xf32, #tpu.memory_space<any>>
    tpu.wait_dma2 semaphore(%arg14 : memref<!tpu.dma_semaphore, #tpu.memory_space<semaphore_mem>>) src(%dma_wait3A_37 : memref<8000x256xf32, #tpu.memory_space<any>>) dst(%arg11 : memref<8000x256xf32, #tpu.memory_space<vmem>>)
    %get3A_38 = arith.constant 0 : index
    %get3A_39 = arith.constant 16000 : index
    %get3A_40 = vector.load %arg0[%get3A_38, %get3A_39] : memref<1x160000xf32, #tpu.memory_space<vmem>>, vector<1x8000xf32>
    %get3A_41 = arith.constant 0 : index
    %get3A_42 = arith.constant 0 : index
    %get3A_43 = vector.load %arg11[%get3A_41, %get3A_42] : memref<8000x256xf32, #tpu.memory_space<vmem>>, vector<8000x256xf32>
    %dot_general3A_44 = arith.constant dense<0.000000e+00> : vector<1x256xf32>
    %dot_general3A_45 = tpu.matmul %get3A_40, %get3A_43, %dot_general3A_44 {dimension_numbers = #tpu.dot_dimension_numbers<[1], [0], [0], [1], [0, 0, 1, 1], [], []>, transpose_lhs_hint = false} : vector<1x8000xf32>, vector<8000x256xf32>, vector<1x256xf32> -> vector<1x256xf32>
    %add3A_46 = arith.addf %add3A_31, %dot_general3A_45 : vector<1x256xf32>
    %dma_start3A_47 = arith.constant 36112 : i32
    %dma_start3A_48 = arith.constant 0 : i32
    %dma_start3A_49 = tpu.memref_slice %arg9[%dma_start3A_47, %dma_start3A_48] : memref<164112x256xf32, #tpu.memory_space<any>> -> memref<8000x256xf32, #tpu.memory_space<any>>
    tpu.enqueue_dma source(%dma_start3A_49 : memref<8000x256xf32, #tpu.memory_space<any>>) target(%arg11 : memref<8000x256xf32, #tpu.memory_space<vmem>>) target_semaphore(%arg14 : memref<!tpu.dma_semaphore, #tpu.memory_space<semaphore_mem>>)
    %dma_wait3A_50 = arith.constant 28112 : i32
    %dma_wait3A_51 = arith.constant 0 : i32
    %dma_wait3A_52 = tpu.memref_slice %arg9[%dma_wait3A_50, %dma_wait3A_51] : memref<164112x256xf32, #tpu.memory_space<any>> -> memref<8000x256xf32, #tpu.memory_space<any>>
    tpu.wait_dma2 semaphore(%arg15 : memref<!tpu.dma_semaphore, #tpu.memory_space<semaphore_mem>>) src(%dma_wait3A_52 : memref<8000x256xf32, #tpu.memory_space<any>>) dst(%arg12 : memref<8000x256xf32, #tpu.memory_space<vmem>>)
    %get3A_53 = arith.constant 0 : index
    %get3A_54 = arith.constant 24000 : index
    %get3A_55 = vector.load %arg0[%get3A_53, %get3A_54] : memref<1x160000xf32, #tpu.memory_space<vmem>>, vector<1x8000xf32>
    %get3A_56 = arith.constant 0 : index
    %get3A_57 = arith.constant 0 : index
    %get3A_58 = vector.load %arg12[%get3A_56, %get3A_57] : memref<8000x256xf32, #tpu.memory_space<vmem>>, vector<8000x256xf32>
    %dot_general3A_59 = arith.constant dense<0.000000e+00> : vector<1x256xf32>
    %dot_general3A_60 = tpu.matmul %get3A_55, %get3A_58, %dot_general3A_59 {dimension_numbers = #tpu.dot_dimension_numbers<[1], [0], [0], [1], [0, 0, 1, 1], [], []>, transpose_lhs_hint = false} : vector<1x8000xf32>, vector<8000x256xf32>, vector<1x256xf32> -> vector<1x256xf32>
    %add3A_61 = arith.addf %add3A_46, %dot_general3A_60 : vector<1x256xf32>
    %dma_start3A_62 = arith.constant 44112 : i32
    %dma_start3A_63 = arith.constant 0 : i32
    %dma_start3A_64 = tpu.memref_slice %arg9[%dma_start3A_62, %dma_start3A_63] : memref<164112x256xf32, #tpu.memory_space<any>> -> memref<8000x256xf32, #tpu.memory_space<any>>
    tpu.enqueue_dma source(%dma_start3A_64 : memref<8000x256xf32, #tpu.memory_space<any>>) target(%arg12 : memref<8000x256xf32, #tpu.memory_space<vmem>>) target_semaphore(%arg15 : memref<!tpu.dma_semaphore, #tpu.memory_space<semaphore_mem>>)
    %dma_wait3A_65 = arith.constant 36112 : i32
    %dma_wait3A_66 = arith.constant 0 : i32
    %dma_wait3A_67 = tpu.memref_slice %arg9[%dma_wait3A_65, %dma_wait3A_66] : memref<164112x256xf32, #tpu.memory_space<any>> -> memref<8000x256xf32, #tpu.memory_space<any>>
    tpu.wait_dma2 semaphore(%arg14 : memref<!tpu.dma_semaphore, #tpu.memory_space<semaphore_mem>>) src(%dma_wait3A_67 : memref<8000x256xf32, #tpu.memory_space<any>>) dst(%arg11 : memref<8000x256xf32, #tpu.memory_space<vmem>>)
    %get3A_68 = arith.constant 0 : index
    %get3A_69 = arith.constant 32000 : index
    %get3A_70 = vector.load %arg0[%get3A_68, %get3A_69] : memref<1x160000xf32, #tpu.memory_space<vmem>>, vector<1x8000xf32>
    %get3A_71 = arith.constant 0 : index
    %get3A_72 = arith.constant 0 : index
    %get3A_73 = vector.load %arg11[%get3A_71, %get3A_72] : memref<8000x256xf32, #tpu.memory_space<vmem>>, vector<8000x256xf32>
    %dot_general3A_74 = arith.constant dense<0.000000e+00> : vector<1x256xf32>
    %dot_general3A_75 = tpu.matmul %get3A_70, %get3A_73, %dot_general3A_74 {dimension_numbers = #tpu.dot_dimension_numbers<[1], [0], [0], [1], [0, 0, 1, 1], [], []>, transpose_lhs_hint = false} : vector<1x8000xf32>, vector<8000x256xf32>, vector<1x256xf32> -> vector<1x256xf32>
    %add3A_76 = arith.addf %add3A_61, %dot_general3A_75 : vector<1x256xf32>
    %dma_start3A_77 = arith.constant 52112 : i32
    %dma_start3A_78 = arith.constant 0 : i32
    %dma_start3A_79 = tpu.memref_slice %arg9[%dma_start3A_77, %dma_start3A_78] : memref<164112x256xf32, #tpu.memory_space<any>> -> memref<8000x256xf32, #tpu.memory_space<any>>
    tpu.enqueue_dma source(%dma_start3A_79 : memref<8000x256xf32, #tpu.memory_space<any>>) target(%arg11 : memref<8000x256xf32, #tpu.memory_space<vmem>>) target_semaphore(%arg14 : memref<!tpu.dma_semaphore, #tpu.memory_space<semaphore_mem>>)
    %dma_wait3A_80 = arith.constant 44112 : i32
    %dma_wait3A_81 = arith.constant 0 : i32
    %dma_wait3A_82 = tpu.memref_slice %arg9[%dma_wait3A_80, %dma_wait3A_81] : memref<164112x256xf32, #tpu.memory_space<any>> -> memref<8000x256xf32, #tpu.memory_space<any>>
    tpu.wait_dma2 semaphore(%arg15 : memref<!tpu.dma_semaphore, #tpu.memory_space<semaphore_mem>>) src(%dma_wait3A_82 : memref<8000x256xf32, #tpu.memory_space<any>>) dst(%arg12 : memref<8000x256xf32, #tpu.memory_space<vmem>>)
    %get3A_83 = arith.constant 0 : index
    %get3A_84 = arith.constant 40000 : index
    %get3A_85 = vector.load %arg0[%get3A_83, %get3A_84] : memref<1x160000xf32, #tpu.memory_space<vmem>>, vector<1x8000xf32>
    %get3A_86 = arith.constant 0 : index
    %get3A_87 = arith.constant 0 : index
    %get3A_88 = vector.load %arg12[%get3A_86, %get3A_87] : memref<8000x256xf32, #tpu.memory_space<vmem>>, vector<8000x256xf32>
    %dot_general3A_89 = arith.constant dense<0.000000e+00> : vector<1x256xf32>
    %dot_general3A_90 = tpu.matmul %get3A_85, %get3A_88, %dot_general3A_89 {dimension_numbers = #tpu.dot_dimension_numbers<[1], [0], [0], [1], [0, 0, 1, 1], [], []>, transpose_lhs_hint = false} : vector<1x8000xf32>, vector<8000x256xf32>, vector<1x256xf32> -> vector<1x256xf32>
    %add3A_91 = arith.addf %add3A_76, %dot_general3A_90 : vector<1x256xf32>
    %dma_start3A_92 = arith.constant 60112 : i32
    %dma_start3A_93 = arith.constant 0 : i32
    %dma_start3A_94 = tpu.memref_slice %arg9[%dma_start3A_92, %dma_start3A_93] : memref<164112x256xf32, #tpu.memory_space<any>> -> memref<8000x256xf32, #tpu.memory_space<any>>
    tpu.enqueue_dma source(%dma_start3A_94 : memref<8000x256xf32, #tpu.memory_space<any>>) target(%arg12 : memref<8000x256xf32, #tpu.memory_space<vmem>>) target_semaphore(%arg15 : memref<!tpu.dma_semaphore, #tpu.memory_space<semaphore_mem>>)
    %dma_wait3A_95 = arith.constant 52112 : i32
    %dma_wait3A_96 = arith.constant 0 : i32
    %dma_wait3A_97 = tpu.memref_slice %arg9[%dma_wait3A_95, %dma_wait3A_96] : memref<164112x256xf32, #tpu.memory_space<any>> -> memref<8000x256xf32, #tpu.memory_space<any>>
    tpu.wait_dma2 semaphore(%arg14 : memref<!tpu.dma_semaphore, #tpu.memory_space<semaphore_mem>>) src(%dma_wait3A_97 : memref<8000x256xf32, #tpu.memory_space<any>>) dst(%arg11 : memref<8000x256xf32, #tpu.memory_space<vmem>>)
    %get3A_98 = arith.constant 0 : index
    %get3A_99 = arith.constant 48000 : index
    %get3A_100 = vector.load %arg0[%get3A_98, %get3A_99] : memref<1x160000xf32, #tpu.memory_space<vmem>>, vector<1x8000xf32>
    %get3A_101 = arith.constant 0 : index
    %get3A_102 = arith.constant 0 : index
    %get3A_103 = vector.load %arg11[%get3A_101, %get3A_102] : memref<8000x256xf32, #tpu.memory_space<vmem>>, vector<8000x256xf32>
    %dot_general3A_104 = arith.constant dense<0.000000e+00> : vector<1x256xf32>
    %dot_general3A_105 = tpu.matmul %get3A_100, %get3A_103, %dot_general3A_104 {dimension_numbers = #tpu.dot_dimension_numbers<[1], [0], [0], [1], [0, 0, 1, 1], [], []>, transpose_lhs_hint = false} : vector<1x8000xf32>, vector<8000x256xf32>, vector<1x256xf32> -> vector<1x256xf32>
    %add3A_106 = arith.addf %add3A_91, %dot_general3A_105 : vector<1x256xf32>
    %dma_start3A_107 = arith.constant 68112 : i32
    %dma_start3A_108 = arith.constant 0 : i32
    %dma_start3A_109 = tpu.memref_slice %arg9[%dma_start3A_107, %dma_start3A_108] : memref<164112x256xf32, #tpu.memory_space<any>> -> memref<8000x256xf32, #tpu.memory_space<any>>
    tpu.enqueue_dma source(%dma_start3A_109 : memref<8000x256xf32, #tpu.memory_space<any>>) target(%arg11 : memref<8000x256xf32, #tpu.memory_space<vmem>>) target_semaphore(%arg14 : memref<!tpu.dma_semaphore, #tpu.memory_space<semaphore_mem>>)
    %dma_wait3A_110 = arith.constant 60112 : i32
    %dma_wait3A_111 = arith.constant 0 : i32
    %dma_wait3A_112 = tpu.memref_slice %arg9[%dma_wait3A_110, %dma_wait3A_111] : memref<164112x256xf32, #tpu.memory_space<any>> -> memref<8000x256xf32, #tpu.memory_space<any>>
    tpu.wait_dma2 semaphore(%arg15 : memref<!tpu.dma_semaphore, #tpu.memory_space<semaphore_mem>>) src(%dma_wait3A_112 : memref<8000x256xf32, #tpu.memory_space<any>>) dst(%arg12 : memref<8000x256xf32, #tpu.memory_space<vmem>>)
    %get3A_113 = arith.constant 0 : index
    %get3A_114 = arith.constant 56000 : index
    %get3A_115 = vector.load %arg0[%get3A_113, %get3A_114] : memref<1x160000xf32, #tpu.memory_space<vmem>>, vector<1x8000xf32>
    %get3A_116 = arith.constant 0 : index
    %get3A_117 = arith.constant 0 : index
    %get3A_118 = vector.load %arg12[%get3A_116, %get3A_117] : memref<8000x256xf32, #tpu.memory_space<vmem>>, vector<8000x256xf32>
    %dot_general3A_119 = arith.constant dense<0.000000e+00> : vector<1x256xf32>
    %dot_general3A_120 = tpu.matmul %get3A_115, %get3A_118, %dot_general3A_119 {dimension_numbers = #tpu.dot_dimension_numbers<[1], [0], [0], [1], [0, 0, 1, 1], [], []>, transpose_lhs_hint = false} : vector<1x8000xf32>, vector<8000x256xf32>, vector<1x256xf32> -> vector<1x256xf32>
    %add3A_121 = arith.addf %add3A_106, %dot_general3A_120 : vector<1x256xf32>
    %dma_start3A_122 = arith.constant 76112 : i32
    %dma_start3A_123 = arith.constant 0 : i32
    %dma_start3A_124 = tpu.memref_slice %arg9[%dma_start3A_122, %dma_start3A_123] : memref<164112x256xf32, #tpu.memory_space<any>> -> memref<8000x256xf32, #tpu.memory_space<any>>
    tpu.enqueue_dma source(%dma_start3A_124 : memref<8000x256xf32, #tpu.memory_space<any>>) target(%arg12 : memref<8000x256xf32, #tpu.memory_space<vmem>>) target_semaphore(%arg15 : memref<!tpu.dma_semaphore, #tpu.memory_space<semaphore_mem>>)
    %dma_wait3A_125 = arith.constant 68112 : i32
    %dma_wait3A_126 = arith.constant 0 : i32
    %dma_wait3A_127 = tpu.memref_slice %arg9[%dma_wait3A_125, %dma_wait3A_126] : memref<164112x256xf32, #tpu.memory_space<any>> -> memref<8000x256xf32, #tpu.memory_space<any>>
    tpu.wait_dma2 semaphore(%arg14 : memref<!tpu.dma_semaphore, #tpu.memory_space<semaphore_mem>>) src(%dma_wait3A_127 : memref<8000x256xf32, #tpu.memory_space<any>>) dst(%arg11 : memref<8000x256xf32, #tpu.memory_space<vmem>>)
    %get3A_128 = arith.constant 0 : index
    %get3A_129 = arith.constant 64000 : index
    %get3A_130 = vector.load %arg0[%get3A_128, %get3A_129] : memref<1x160000xf32, #tpu.memory_space<vmem>>, vector<1x8000xf32>
    %get3A_131 = arith.constant 0 : index
    %get3A_132 = arith.constant 0 : index
    %get3A_133 = vector.load %arg11[%get3A_131, %get3A_132] : memref<8000x256xf32, #tpu.memory_space<vmem>>, vector<8000x256xf32>
    %dot_general3A_134 = arith.constant dense<0.000000e+00> : vector<1x256xf32>
    %dot_general3A_135 = tpu.matmul %get3A_130, %get3A_133, %dot_general3A_134 {dimension_numbers = #tpu.dot_dimension_numbers<[1], [0], [0], [1], [0, 0, 1, 1], [], []>, transpose_lhs_hint = false} : vector<1x8000xf32>, vector<8000x256xf32>, vector<1x256xf32> -> vector<1x256xf32>
    %add3A_136 = arith.addf %add3A_121, %dot_general3A_135 : vector<1x256xf32>
    %dma_start3A_137 = arith.constant 84112 : i32
    %dma_start3A_138 = arith.constant 0 : i32
    %dma_start3A_139 = tpu.memref_slice %arg9[%dma_start3A_137, %dma_start3A_138] : memref<164112x256xf32, #tpu.memory_space<any>> -> memref<8000x256xf32, #tpu.memory_space<any>>
    tpu.enqueue_dma source(%dma_start3A_139 : memref<8000x256xf32, #tpu.memory_space<any>>) target(%arg11 : memref<8000x256xf32, #tpu.memory_space<vmem>>) target_semaphore(%arg14 : memref<!tpu.dma_semaphore, #tpu.memory_space<semaphore_mem>>)
    %dma_wait3A_140 = arith.constant 76112 : i32
    %dma_wait3A_141 = arith.constant 0 : i32
    %dma_wait3A_142 = tpu.memref_slice %arg9[%dma_wait3A_140, %dma_wait3A_141] : memref<164112x256xf32, #tpu.memory_space<any>> -> memref<8000x256xf32, #tpu.memory_space<any>>
    tpu.wait_dma2 semaphore(%arg15 : memref<!tpu.dma_semaphore, #tpu.memory_space<semaphore_mem>>) src(%dma_wait3A_142 : memref<8000x256xf32, #tpu.memory_space<any>>) dst(%arg12 : memref<8000x256xf32, #tpu.memory_space<vmem>>)
    %get3A_143 = arith.constant 0 : index
    %get3A_144 = arith.constant 72000 : index
    %get3A_145 = vector.load %arg0[%get3A_143, %get3A_144] : memref<1x160000xf32, #tpu.memory_space<vmem>>, vector<1x8000xf32>
    %get3A_146 = arith.constant 0 : index
    %get3A_147 = arith.constant 0 : index
    %get3A_148 = vector.load %arg12[%get3A_146, %get3A_147] : memref<8000x256xf32, #tpu.memory_space<vmem>>, vector<8000x256xf32>
    %dot_general3A_149 = arith.constant dense<0.000000e+00> : vector<1x256xf32>
    %dot_general3A_150 = tpu.matmul %get3A_145, %get3A_148, %dot_general3A_149 {dimension_numbers = #tpu.dot_dimension_numbers<[1], [0], [0], [1], [0, 0, 1, 1], [], []>, transpose_lhs_hint = false} : vector<1x8000xf32>, vector<8000x256xf32>, vector<1x256xf32> -> vector<1x256xf32>
    %add3A_151 = arith.addf %add3A_136, %dot_general3A_150 : vector<1x256xf32>
    %dma_start3A_152 = arith.constant 92112 : i32
    %dma_start3A_153 = arith.constant 0 : i32
    %dma_start3A_154 = tpu.memref_slice %arg9[%dma_start3A_152, %dma_start3A_153] : memref<164112x256xf32, #tpu.memory_space<any>> -> memref<8000x256xf32, #tpu.memory_space<any>>
    tpu.enqueue_dma source(%dma_start3A_154 : memref<8000x256xf32, #tpu.memory_space<any>>) target(%arg12 : memref<8000x256xf32, #tpu.memory_space<vmem>>) target_semaphore(%arg15 : memref<!tpu.dma_semaphore, #tpu.memory_space<semaphore_mem>>)
    %dma_wait3A_155 = arith.constant 84112 : i32
    %dma_wait3A_156 = arith.constant 0 : i32
    %dma_wait3A_157 = tpu.memref_slice %arg9[%dma_wait3A_155, %dma_wait3A_156] : memref<164112x256xf32, #tpu.memory_space<any>> -> memref<8000x256xf32, #tpu.memory_space<any>>
    tpu.wait_dma2 semaphore(%arg14 : memref<!tpu.dma_semaphore, #tpu.memory_space<semaphore_mem>>) src(%dma_wait3A_157 : memref<8000x256xf32, #tpu.memory_space<any>>) dst(%arg11 : memref<8000x256xf32, #tpu.memory_space<vmem>>)
    %get3A_158 = arith.constant 0 : index
    %get3A_159 = arith.constant 80000 : index
    %get3A_160 = vector.load %arg0[%get3A_158, %get3A_159] : memref<1x160000xf32, #tpu.memory_space<vmem>>, vector<1x8000xf32>
    %get3A_161 = arith.constant 0 : index
    %get3A_162 = arith.constant 0 : index
    %get3A_163 = vector.load %arg11[%get3A_161, %get3A_162] : memref<8000x256xf32, #tpu.memory_space<vmem>>, vector<8000x256xf32>
    %dot_general3A_164 = arith.constant dense<0.000000e+00> : vector<1x256xf32>
    %dot_general3A_165 = tpu.matmul %get3A_160, %get3A_163, %dot_general3A_164 {dimension_numbers = #tpu.dot_dimension_numbers<[1], [0], [0], [1], [0, 0, 1, 1], [], []>, transpose_lhs_hint = false} : vector<1x8000xf32>, vector<8000x256xf32>, vector<1x256xf32> -> vector<1x256xf32>
    %add3A_166 = arith.addf %add3A_151, %dot_general3A_165 : vector<1x256xf32>
    %dma_start3A_167 = arith.constant 100112 : i32
    %dma_start3A_168 = arith.constant 0 : i32
    %dma_start3A_169 = tpu.memref_slice %arg9[%dma_start3A_167, %dma_start3A_168] : memref<164112x256xf32, #tpu.memory_space<any>> -> memref<8000x256xf32, #tpu.memory_space<any>>
    tpu.enqueue_dma source(%dma_start3A_169 : memref<8000x256xf32, #tpu.memory_space<any>>) target(%arg11 : memref<8000x256xf32, #tpu.memory_space<vmem>>) target_semaphore(%arg14 : memref<!tpu.dma_semaphore, #tpu.memory_space<semaphore_mem>>)
    %dma_wait3A_170 = arith.constant 92112 : i32
    %dma_wait3A_171 = arith.constant 0 : i32
    %dma_wait3A_172 = tpu.memref_slice %arg9[%dma_wait3A_170, %dma_wait3A_171] : memref<164112x256xf32, #tpu.memory_space<any>> -> memref<8000x256xf32, #tpu.memory_space<any>>
    tpu.wait_dma2 semaphore(%arg15 : memref<!tpu.dma_semaphore, #tpu.memory_space<semaphore_mem>>) src(%dma_wait3A_172 : memref<8000x256xf32, #tpu.memory_space<any>>) dst(%arg12 : memref<8000x256xf32, #tpu.memory_space<vmem>>)
    %get3A_173 = arith.constant 0 : index
    %get3A_174 = arith.constant 88000 : index
    %get3A_175 = vector.load %arg0[%get3A_173, %get3A_174] : memref<1x160000xf32, #tpu.memory_space<vmem>>, vector<1x8000xf32>
    %get3A_176 = arith.constant 0 : index
    %get3A_177 = arith.constant 0 : index
    %get3A_178 = vector.load %arg12[%get3A_176, %get3A_177] : memref<8000x256xf32, #tpu.memory_space<vmem>>, vector<8000x256xf32>
    %dot_general3A_179 = arith.constant dense<0.000000e+00> : vector<1x256xf32>
    %dot_general3A_180 = tpu.matmul %get3A_175, %get3A_178, %dot_general3A_179 {dimension_numbers = #tpu.dot_dimension_numbers<[1], [0], [0], [1], [0, 0, 1, 1], [], []>, transpose_lhs_hint = false} : vector<1x8000xf32>, vector<8000x256xf32>, vector<1x256xf32> -> vector<1x256xf32>
    %add3A_181 = arith.addf %add3A_166, %dot_general3A_180 : vector<1x256xf32>
    %dma_start3A_182 = arith.constant 108112 : i32
    %dma_start3A_183 = arith.constant 0 : i32
    %dma_start3A_184 = tpu.memref_slice %arg9[%dma_start3A_182, %dma_start3A_183] : memref<164112x256xf32, #tpu.memory_space<any>> -> memref<8000x256xf32, #tpu.memory_space<any>>
    tpu.enqueue_dma source(%dma_start3A_184 : memref<8000x256xf32, #tpu.memory_space<any>>) target(%arg12 : memref<8000x256xf32, #tpu.memory_space<vmem>>) target_semaphore(%arg15 : memref<!tpu.dma_semaphore, #tpu.memory_space<semaphore_mem>>)
    %dma_wait3A_185 = arith.constant 100112 : i32
    %dma_wait3A_186 = arith.constant 0 : i32
    %dma_wait3A_187 = tpu.memref_slice %arg9[%dma_wait3A_185, %dma_wait3A_186] : memref<164112x256xf32, #tpu.memory_space<any>> -> memref<8000x256xf32, #tpu.memory_space<any>>
    tpu.wait_dma2 semaphore(%arg14 : memref<!tpu.dma_semaphore, #tpu.memory_space<semaphore_mem>>) src(%dma_wait3A_187 : memref<8000x256xf32, #tpu.memory_space<any>>) dst(%arg11 : memref<8000x256xf32, #tpu.memory_space<vmem>>)
    %get3A_188 = arith.constant 0 : index
    %get3A_189 = arith.constant 96000 : index
    %get3A_190 = vector.load %arg0[%get3A_188, %get3A_189] : memref<1x160000xf32, #tpu.memory_space<vmem>>, vector<1x8000xf32>
    %get3A_191 = arith.constant 0 : index
    %get3A_192 = arith.constant 0 : index
    %get3A_193 = vector.load %arg11[%get3A_191, %get3A_192] : memref<8000x256xf32, #tpu.memory_space<vmem>>, vector<8000x256xf32>
    %dot_general3A_194 = arith.constant dense<0.000000e+00> : vector<1x256xf32>
    %dot_general3A_195 = tpu.matmul %get3A_190, %get3A_193, %dot_general3A_194 {dimension_numbers = #tpu.dot_dimension_numbers<[1], [0], [0], [1], [0, 0, 1, 1], [], []>, transpose_lhs_hint = false} : vector<1x8000xf32>, vector<8000x256xf32>, vector<1x256xf32> -> vector<1x256xf32>
    %add3A_196 = arith.addf %add3A_181, %dot_general3A_195 : vector<1x256xf32>
    %dma_start3A_197 = arith.constant 116112 : i32
    %dma_start3A_198 = arith.constant 0 : i32
    %dma_start3A_199 = tpu.memref_slice %arg9[%dma_start3A_197, %dma_start3A_198] : memref<164112x256xf32, #tpu.memory_space<any>> -> memref<8000x256xf32, #tpu.memory_space<any>>
    tpu.enqueue_dma source(%dma_start3A_199 : memref<8000x256xf32, #tpu.memory_space<any>>) target(%arg11 : memref<8000x256xf32, #tpu.memory_space<vmem>>) target_semaphore(%arg14 : memref<!tpu.dma_semaphore, #tpu.memory_space<semaphore_mem>>)
    %dma_wait3A_200 = arith.constant 108112 : i32
    %dma_wait3A_201 = arith.constant 0 : i32
    %dma_wait3A_202 = tpu.memref_slice %arg9[%dma_wait3A_200, %dma_wait3A_201] : memref<164112x256xf32, #tpu.memory_space<any>> -> memref<8000x256xf32, #tpu.memory_space<any>>
    tpu.wait_dma2 semaphore(%arg15 : memref<!tpu.dma_semaphore, #tpu.memory_space<semaphore_mem>>) src(%dma_wait3A_202 : memref<8000x256xf32, #tpu.memory_space<any>>) dst(%arg12 : memref<8000x256xf32, #tpu.memory_space<vmem>>)
    %get3A_203 = arith.constant 0 : index
    %get3A_204 = arith.constant 104000 : index
    %get3A_205 = vector.load %arg0[%get3A_203, %get3A_204] : memref<1x160000xf32, #tpu.memory_space<vmem>>, vector<1x8000xf32>
    %get3A_206 = arith.constant 0 : index
    %get3A_207 = arith.constant 0 : index
    %get3A_208 = vector.load %arg12[%get3A_206, %get3A_207] : memref<8000x256xf32, #tpu.memory_space<vmem>>, vector<8000x256xf32>
    %dot_general3A_209 = arith.constant dense<0.000000e+00> : vector<1x256xf32>
    %dot_general3A_210 = tpu.matmul %get3A_205, %get3A_208, %dot_general3A_209 {dimension_numbers = #tpu.dot_dimension_numbers<[1], [0], [0], [1], [0, 0, 1, 1], [], []>, transpose_lhs_hint = false} : vector<1x8000xf32>, vector<8000x256xf32>, vector<1x256xf32> -> vector<1x256xf32>
    %add3A_211 = arith.addf %add3A_196, %dot_general3A_210 : vector<1x256xf32>
    %dma_start3A_212 = arith.constant 124112 : i32
    %dma_start3A_213 = arith.constant 0 : i32
    %dma_start3A_214 = tpu.memref_slice %arg9[%dma_start3A_212, %dma_start3A_213] : memref<164112x256xf32, #tpu.memory_space<any>> -> memref<8000x256xf32, #tpu.memory_space<any>>
    tpu.enqueue_dma source(%dma_start3A_214 : memref<8000x256xf32, #tpu.memory_space<any>>) target(%arg12 : memref<8000x256xf32, #tpu.memory_space<vmem>>) target_semaphore(%arg15 : memref<!tpu.dma_semaphore, #tpu.memory_space<semaphore_mem>>)
    %dma_wait3A_215 = arith.constant 116112 : i32
    %dma_wait3A_216 = arith.constant 0 : i32
    %dma_wait3A_217 = tpu.memref_slice %arg9[%dma_wait3A_215, %dma_wait3A_216] : memref<164112x256xf32, #tpu.memory_space<any>> -> memref<8000x256xf32, #tpu.memory_space<any>>
    tpu.wait_dma2 semaphore(%arg14 : memref<!tpu.dma_semaphore, #tpu.memory_space<semaphore_mem>>) src(%dma_wait3A_217 : memref<8000x256xf32, #tpu.memory_space<any>>) dst(%arg11 : memref<8000x256xf32, #tpu.memory_space<vmem>>)
    %get3A_218 = arith.constant 0 : index
    %get3A_219 = arith.constant 112000 : index
    %get3A_220 = vector.load %arg0[%get3A_218, %get3A_219] : memref<1x160000xf32, #tpu.memory_space<vmem>>, vector<1x8000xf32>
    %get3A_221 = arith.constant 0 : index
    %get3A_222 = arith.constant 0 : index
    %get3A_223 = vector.load %arg11[%get3A_221, %get3A_222] : memref<8000x256xf32, #tpu.memory_space<vmem>>, vector<8000x256xf32>
    %dot_general3A_224 = arith.constant dense<0.000000e+00> : vector<1x256xf32>
    %dot_general3A_225 = tpu.matmul %get3A_220, %get3A_223, %dot_general3A_224 {dimension_numbers = #tpu.dot_dimension_numbers<[1], [0], [0], [1], [0, 0, 1, 1], [], []>, transpose_lhs_hint = false} : vector<1x8000xf32>, vector<8000x256xf32>, vector<1x256xf32> -> vector<1x256xf32>
    %add3A_226 = arith.addf %add3A_211, %dot_general3A_225 : vector<1x256xf32>
    %dma_start3A_227 = arith.constant 132112 : i32
    %dma_start3A_228 = arith.constant 0 : i32
    %dma_start3A_229 = tpu.memref_slice %arg9[%dma_start3A_227, %dma_start3A_228] : memref<164112x256xf32, #tpu.memory_space<any>> -> memref<8000x256xf32, #tpu.memory_space<any>>
    tpu.enqueue_dma source(%dma_start3A_229 : memref<8000x256xf32, #tpu.memory_space<any>>) target(%arg11 : memref<8000x256xf32, #tpu.memory_space<vmem>>) target_semaphore(%arg14 : memref<!tpu.dma_semaphore, #tpu.memory_space<semaphore_mem>>)
    %dma_wait3A_230 = arith.constant 124112 : i32
    %dma_wait3A_231 = arith.constant 0 : i32
    %dma_wait3A_232 = tpu.memref_slice %arg9[%dma_wait3A_230, %dma_wait3A_231] : memref<164112x256xf32, #tpu.memory_space<any>> -> memref<8000x256xf32, #tpu.memory_space<any>>
    tpu.wait_dma2 semaphore(%arg15 : memref<!tpu.dma_semaphore, #tpu.memory_space<semaphore_mem>>) src(%dma_wait3A_232 : memref<8000x256xf32, #tpu.memory_space<any>>) dst(%arg12 : memref<8000x256xf32, #tpu.memory_space<vmem>>)
    %get3A_233 = arith.constant 0 : index
    %get3A_234 = arith.constant 120000 : index
    %get3A_235 = vector.load %arg0[%get3A_233, %get3A_234] : memref<1x160000xf32, #tpu.memory_space<vmem>>, vector<1x8000xf32>
    %get3A_236 = arith.constant 0 : index
    %get3A_237 = arith.constant 0 : index
    %get3A_238 = vector.load %arg12[%get3A_236, %get3A_237] : memref<8000x256xf32, #tpu.memory_space<vmem>>, vector<8000x256xf32>
    %dot_general3A_239 = arith.constant dense<0.000000e+00> : vector<1x256xf32>
    %dot_general3A_240 = tpu.matmul %get3A_235, %get3A_238, %dot_general3A_239 {dimension_numbers = #tpu.dot_dimension_numbers<[1], [0], [0], [1], [0, 0, 1, 1], [], []>, transpose_lhs_hint = false} : vector<1x8000xf32>, vector<8000x256xf32>, vector<1x256xf32> -> vector<1x256xf32>
    %add3A_241 = arith.addf %add3A_226, %dot_general3A_240 : vector<1x256xf32>
    %dma_start3A_242 = arith.constant 140112 : i32
    %dma_start3A_243 = arith.constant 0 : i32
    %dma_start3A_244 = tpu.memref_slice %arg9[%dma_start3A_242, %dma_start3A_243] : memref<164112x256xf32, #tpu.memory_space<any>> -> memref<8000x256xf32, #tpu.memory_space<any>>
    tpu.enqueue_dma source(%dma_start3A_244 : memref<8000x256xf32, #tpu.memory_space<any>>) target(%arg12 : memref<8000x256xf32, #tpu.memory_space<vmem>>) target_semaphore(%arg15 : memref<!tpu.dma_semaphore, #tpu.memory_space<semaphore_mem>>)
    %dma_wait3A_245 = arith.constant 132112 : i32
    %dma_wait3A_246 = arith.constant 0 : i32
    %dma_wait3A_247 = tpu.memref_slice %arg9[%dma_wait3A_245, %dma_wait3A_246] : memref<164112x256xf32, #tpu.memory_space<any>> -> memref<8000x256xf32, #tpu.memory_space<any>>
    tpu.wait_dma2 semaphore(%arg14 : memref<!tpu.dma_semaphore, #tpu.memory_space<semaphore_mem>>) src(%dma_wait3A_247 : memref<8000x256xf32, #tpu.memory_space<any>>) dst(%arg11 : memref<8000x256xf32, #tpu.memory_space<vmem>>)
    %get3A_248 = arith.constant 0 : index
    %get3A_249 = arith.constant 128000 : index
    %get3A_250 = vector.load %arg0[%get3A_248, %get3A_249] : memref<1x160000xf32, #tpu.memory_space<vmem>>, vector<1x8000xf32>
    %get3A_251 = arith.constant 0 : index
    %get3A_252 = arith.constant 0 : index
    %get3A_253 = vector.load %arg11[%get3A_251, %get3A_252] : memref<8000x256xf32, #tpu.memory_space<vmem>>, vector<8000x256xf32>
    %dot_general3A_254 = arith.constant dense<0.000000e+00> : vector<1x256xf32>
    %dot_general3A_255 = tpu.matmul %get3A_250, %get3A_253, %dot_general3A_254 {dimension_numbers = #tpu.dot_dimension_numbers<[1], [0], [0], [1], [0, 0, 1, 1], [], []>, transpose_lhs_hint = false} : vector<1x8000xf32>, vector<8000x256xf32>, vector<1x256xf32> -> vector<1x256xf32>
    %add3A_256 = arith.addf %add3A_241, %dot_general3A_255 : vector<1x256xf32>
    %dma_start3A_257 = arith.constant 148112 : i32
    %dma_start3A_258 = arith.constant 0 : i32
    %dma_start3A_259 = tpu.memref_slice %arg9[%dma_start3A_257, %dma_start3A_258] : memref<164112x256xf32, #tpu.memory_space<any>> -> memref<8000x256xf32, #tpu.memory_space<any>>
    tpu.enqueue_dma source(%dma_start3A_259 : memref<8000x256xf32, #tpu.memory_space<any>>) target(%arg11 : memref<8000x256xf32, #tpu.memory_space<vmem>>) target_semaphore(%arg14 : memref<!tpu.dma_semaphore, #tpu.memory_space<semaphore_mem>>)
    %dma_wait3A_260 = arith.constant 140112 : i32
    %dma_wait3A_261 = arith.constant 0 : i32
    %dma_wait3A_262 = tpu.memref_slice %arg9[%dma_wait3A_260, %dma_wait3A_261] : memref<164112x256xf32, #tpu.memory_space<any>> -> memref<8000x256xf32, #tpu.memory_space<any>>
    tpu.wait_dma2 semaphore(%arg15 : memref<!tpu.dma_semaphore, #tpu.memory_space<semaphore_mem>>) src(%dma_wait3A_262 : memref<8000x256xf32, #tpu.memory_space<any>>) dst(%arg12 : memref<8000x256xf32, #tpu.memory_space<vmem>>)
    %get3A_263 = arith.constant 0 : index
    %get3A_264 = arith.constant 136000 : index
    %get3A_265 = vector.load %arg0[%get3A_263, %get3A_264] : memref<1x160000xf32, #tpu.memory_space<vmem>>, vector<1x8000xf32>
    %get3A_266 = arith.constant 0 : index
    %get3A_267 = arith.constant 0 : index
    %get3A_268 = vector.load %arg12[%get3A_266, %get3A_267] : memref<8000x256xf32, #tpu.memory_space<vmem>>, vector<8000x256xf32>
    %dot_general3A_269 = arith.constant dense<0.000000e+00> : vector<1x256xf32>
    %dot_general3A_270 = tpu.matmul %get3A_265, %get3A_268, %dot_general3A_269 {dimension_numbers = #tpu.dot_dimension_numbers<[1], [0], [0], [1], [0, 0, 1, 1], [], []>, transpose_lhs_hint = false} : vector<1x8000xf32>, vector<8000x256xf32>, vector<1x256xf32> -> vector<1x256xf32>
    %add3A_271 = arith.addf %add3A_256, %dot_general3A_270 : vector<1x256xf32>
    %dma_start3A_272 = arith.constant 156112 : i32
    %dma_start3A_273 = arith.constant 0 : i32
    %dma_start3A_274 = tpu.memref_slice %arg9[%dma_start3A_272, %dma_start3A_273] : memref<164112x256xf32, #tpu.memory_space<any>> -> memref<8000x256xf32, #tpu.memory_space<any>>
    tpu.enqueue_dma source(%dma_start3A_274 : memref<8000x256xf32, #tpu.memory_space<any>>) target(%arg12 : memref<8000x256xf32, #tpu.memory_space<vmem>>) target_semaphore(%arg15 : memref<!tpu.dma_semaphore, #tpu.memory_space<semaphore_mem>>)
    %dma_wait3A_275 = arith.constant 148112 : i32
    %dma_wait3A_276 = arith.constant 0 : i32
    %dma_wait3A_277 = tpu.memref_slice %arg9[%dma_wait3A_275, %dma_wait3A_276] : memref<164112x256xf32, #tpu.memory_space<any>> -> memref<8000x256xf32, #tpu.memory_space<any>>
    tpu.wait_dma2 semaphore(%arg14 : memref<!tpu.dma_semaphore, #tpu.memory_space<semaphore_mem>>) src(%dma_wait3A_277 : memref<8000x256xf32, #tpu.memory_space<any>>) dst(%arg11 : memref<8000x256xf32, #tpu.memory_space<vmem>>)
    %get3A_278 = arith.constant 0 : index
    %get3A_279 = arith.constant 144000 : index
    %get3A_280 = vector.load %arg0[%get3A_278, %get3A_279] : memref<1x160000xf32, #tpu.memory_space<vmem>>, vector<1x8000xf32>
    %get3A_281 = arith.constant 0 : index
    %get3A_282 = arith.constant 0 : index
    %get3A_283 = vector.load %arg11[%get3A_281, %get3A_282] : memref<8000x256xf32, #tpu.memory_space<vmem>>, vector<8000x256xf32>
    %dot_general3A_284 = arith.constant dense<0.000000e+00> : vector<1x256xf32>
    %dot_general3A_285 = tpu.matmul %get3A_280, %get3A_283, %dot_general3A_284 {dimension_numbers = #tpu.dot_dimension_numbers<[1], [0], [0], [1], [0, 0, 1, 1], [], []>, transpose_lhs_hint = false} : vector<1x8000xf32>, vector<8000x256xf32>, vector<1x256xf32> -> vector<1x256xf32>
    %add3A_286 = arith.addf %add3A_271, %dot_general3A_285 : vector<1x256xf32>
    %dma_wait3A_287 = arith.constant 156112 : i32
    %dma_wait3A_288 = arith.constant 0 : i32
    %dma_wait3A_289 = tpu.memref_slice %arg9[%dma_wait3A_287, %dma_wait3A_288] : memref<164112x256xf32, #tpu.memory_space<any>> -> memref<8000x256xf32, #tpu.memory_space<any>>
    tpu.wait_dma2 semaphore(%arg15 : memref<!tpu.dma_semaphore, #tpu.memory_space<semaphore_mem>>) src(%dma_wait3A_289 : memref<8000x256xf32, #tpu.memory_space<any>>) dst(%arg12 : memref<8000x256xf32, #tpu.memory_space<vmem>>)
    %get3A_290 = arith.constant 0 : index
    %get3A_291 = arith.constant 152000 : index
    %get3A_292 = vector.load %arg0[%get3A_290, %get3A_291] : memref<1x160000xf32, #tpu.memory_space<vmem>>, vector<1x8000xf32>
    %get3A_293 = arith.constant 0 : index
    %get3A_294 = arith.constant 0 : index
    %get3A_295 = vector.load %arg12[%get3A_293, %get3A_294] : memref<8000x256xf32, #tpu.memory_space<vmem>>, vector<8000x256xf32>
    %dot_general3A_296 = arith.constant dense<0.000000e+00> : vector<1x256xf32>
    %dot_general3A_297 = tpu.matmul %get3A_292, %get3A_295, %dot_general3A_296 {dimension_numbers = #tpu.dot_dimension_numbers<[1], [0], [0], [1], [0, 0, 1, 1], [], []>, transpose_lhs_hint = false} : vector<1x8000xf32>, vector<8000x256xf32>, vector<1x256xf32> -> vector<1x256xf32>
    %add3A_298 = arith.addf %add3A_286, %dot_general3A_297 : vector<1x256xf32>
    %dma_wait3A_299 = arith.constant 0 : i32
    %dma_wait3A_300 = arith.constant 0 : i32
    %dma_wait3A_301 = tpu.memref_slice %arg9[%dma_wait3A_299, %dma_wait3A_300] : memref<164112x256xf32, #tpu.memory_space<any>> -> memref<4112x256xf32, #tpu.memory_space<any>>
    tpu.wait_dma2 semaphore(%arg16 : memref<!tpu.dma_semaphore, #tpu.memory_space<semaphore_mem>>) src(%dma_wait3A_301 : memref<4112x256xf32, #tpu.memory_space<any>>) dst(%arg13 : memref<4112x256xf32, #tpu.memory_space<vmem>>)
    %get3A_302 = arith.constant 0 : index
    %get3A_303 = arith.constant 0 : index
    %get3A_304 = vector.load %arg1[%get3A_302, %get3A_303] : memref<1x256xf32, #tpu.memory_space<vmem>>, vector<1x256xf32>
    %add3A_305 = arith.addf %add3A_298, %get3A_304 : vector<1x256xf32>
    %get3A_306 = arith.constant 0 : index
    %get3A_307 = arith.constant 0 : index
    %get3A_308 = vector.load %arg6[%get3A_306, %get3A_307] : memref<3x16xf32, #tpu.memory_space<vmem>>, vector<3x16xf32>
    %get3A_309 = arith.constant 0 : index
    %get3A_310 = arith.constant 0 : index
    %get3A_311 = vector.load %arg7[%get3A_309, %get3A_310] : memref<1x4096xf32, #tpu.memory_space<vmem>>, vector<1x4096xf32>
    %get3A_312 = arith.constant 4096 : index
    %get3A_313 = arith.constant 0 : index
    %get3A_314 = vector.load %arg13[%get3A_312, %get3A_313] : memref<4112x256xf32, #tpu.memory_space<vmem>>, vector<16x256xf32>
    %slice3A = vector.extract_strided_slice %get3A_308 {offsets = [2, 0], sizes = [1, 16], strides = [1, 1]} : vector<3x16xf32> to vector<1x16xf32>
    %dot_general3A_315 = arith.constant dense<0.000000e+00> : vector<1x256xf32>
    %dot_general3A_316 = tpu.matmul %slice3A, %get3A_314, %dot_general3A_315 {dimension_numbers = #tpu.dot_dimension_numbers<[1], [0], [0], [1], [0, 0, 1, 1], [], []>, transpose_lhs_hint = false} : vector<1x16xf32>, vector<16x256xf32>, vector<1x256xf32> -> vector<1x256xf32>
    %get3A_317 = arith.constant 0 : index
    %get3A_318 = arith.constant 0 : index
    %get3A_319 = vector.load %arg13[%get3A_317, %get3A_318] : memref<4112x256xf32, #tpu.memory_space<vmem>>, vector<4096x256xf32>
    %dot_general3A_320 = arith.constant dense<0.000000e+00> : vector<1x256xf32>
    %dot_general3A_321 = tpu.matmul %get3A_311, %get3A_319, %dot_general3A_320 {dimension_numbers = #tpu.dot_dimension_numbers<[1], [0], [0], [1], [0, 0, 1, 1], [], []>, transpose_lhs_hint = false} : vector<1x4096xf32>, vector<4096x256xf32>, vector<1x256xf32> -> vector<1x256xf32>
    %add3A_322 = arith.addf %dot_general3A_321, %dot_general3A_316 : vector<1x256xf32>
    %add3A_323 = arith.addf %add3A_322, %add3A_305 : vector<1x256xf32>
    %max3A = arith.constant 0.000000e+00 : f32
    %max3A_324 = vector.broadcast %max3A : f32 to vector<1x256xf32>
    %max3A_325 = arith.maximumf %add3A_323, %max3A_324 : vector<1x256xf32>
    %get3A_326 = arith.constant 0 : index
    %get3A_327 = arith.constant 0 : index
    %get3A_328 = vector.load %arg2[%get3A_326, %get3A_327] : memref<256x256xf32, #tpu.memory_space<vmem>>, vector<256x256xf32>
    %dot_general3A_329 = arith.constant dense<0.000000e+00> : vector<1x256xf32>
    %dot_general3A_330 = tpu.matmul %max3A_325, %get3A_328, %dot_general3A_329 {dimension_numbers = #tpu.dot_dimension_numbers<[1], [0], [0], [1], [0, 0, 1, 1], [], []>, transpose_lhs_hint = false} : vector<1x256xf32>, vector<256x256xf32>, vector<1x256xf32> -> vector<1x256xf32>
    %get3A_331 = arith.constant 0 : index
    %get3A_332 = arith.constant 0 : index
    %get3A_333 = vector.load %arg3[%get3A_331, %get3A_332] : memref<1x256xf32, #tpu.memory_space<vmem>>, vector<1x256xf32>
    %add3A_334 = arith.addf %dot_general3A_330, %get3A_333 : vector<1x256xf32>
    %max3A_335 = arith.constant 0.000000e+00 : f32
    %max3A_336 = vector.broadcast %max3A_335 : f32 to vector<1x256xf32>
    %max3A_337 = arith.maximumf %add3A_334, %max3A_336 : vector<1x256xf32>
    %get3A_338 = arith.constant 0 : index
    %get3A_339 = arith.constant 0 : index
    %get3A_340 = vector.load %arg4[%get3A_338, %get3A_339] : memref<256x4096xf32, #tpu.memory_space<vmem>>, vector<256x4096xf32>
    %dot_general3A_341 = arith.constant dense<0.000000e+00> : vector<1x4096xf32>
    %dot_general3A_342 = tpu.matmul %max3A_337, %get3A_340, %dot_general3A_341 {dimension_numbers = #tpu.dot_dimension_numbers<[1], [0], [0], [1], [0, 0, 1, 1], [], []>, transpose_lhs_hint = false} : vector<1x256xf32>, vector<256x4096xf32>, vector<1x4096xf32> -> vector<1x4096xf32>
    %get3A_343 = arith.constant 0 : index
    %get3A_344 = arith.constant 0 : index
    %get3A_345 = vector.load %arg5[%get3A_343, %get3A_344] : memref<1x4096xf32, #tpu.memory_space<vmem>>, vector<1x4096xf32>
    %add3A_346 = arith.addf %dot_general3A_342, %get3A_345 : vector<1x4096xf32>
    %mul3A = arith.constant 0.99679017 : f32
    %mul3A_347 = vector.broadcast %mul3A : f32 to vector<1x4096xf32>
    %mul3A_348 = arith.mulf %mul3A_347, %add3A_346 : vector<1x4096xf32>
    %sub3A = arith.subf %get3A_311, %mul3A_348 : vector<1x4096xf32>
    %mul3A_349 = arith.constant 12.4908953 : f32
    %mul3A_350 = vector.broadcast %mul3A_349 : f32 to vector<1x4096xf32>
    %mul3A_351 = arith.mulf %sub3A, %mul3A_350 : vector<1x4096xf32>
    %jit3A = arith.constant -2.000000e+01 : f32
    %jit3A_352 = arith.constant 2.000000e+01 : f32
    %max3A_353 = vector.broadcast %jit3A : f32 to vector<1x4096xf32>
    %max3A_354 = arith.maximumf %max3A_353, %mul3A_351 : vector<1x4096xf32>
    %min3A = vector.broadcast %jit3A_352 : f32 to vector<1x4096xf32>
    %min3A_355 = arith.minimumf %min3A, %max3A_354 : vector<1x4096xf32>
    %mul3A_356 = arith.constant 0.303999364 : f32
    %mul3A_357 = vector.broadcast %mul3A_356 : f32 to vector<1x4096xf32>
    %mul3A_358 = arith.mulf %mul3A_357, %min3A_355 : vector<1x4096xf32>
    %mul3A_359 = arith.constant 0.224322855 : f32
    %mul3A_360 = vector.broadcast %mul3A_359 : f32 to vector<1x4096xf32>
    %mul3A_361 = arith.mulf %mul3A_360, %get3A_311 : vector<1x4096xf32>
    %add3A_362 = arith.addf %mul3A_358, %mul3A_361 : vector<1x4096xf32>
    %get3A_363 = arith.constant 0 : index
    %get3A_364 = arith.constant 0 : index
    %get3A_365 = vector.load %arg8[%get3A_363, %get3A_364] : memref<2x4096xf32, #tpu.memory_space<vmem>>, vector<1x4096xf32>
    %mul3A_366 = arith.constant 0.919969916 : f32
    %mul3A_367 = vector.broadcast %mul3A_366 : f32 to vector<1x4096xf32>
    %mul3A_368 = arith.mulf %mul3A_367, %get3A_365 : vector<1x4096xf32>
    %add3A_369 = arith.addf %add3A_362, %mul3A_368 : vector<1x4096xf32>
    %slice3A_370 = vector.extract_strided_slice %get3A_308 {offsets = [1, 0], sizes = [1, 16], strides = [1, 1]} : vector<3x16xf32> to vector<1x16xf32>
    %dot_general3A_371 = arith.constant dense<0.000000e+00> : vector<1x256xf32>
    %dot_general3A_372 = tpu.matmul %slice3A_370, %get3A_314, %dot_general3A_371 {dimension_numbers = #tpu.dot_dimension_numbers<[1], [0], [0], [1], [0, 0, 1, 1], [], []>, transpose_lhs_hint = false} : vector<1x16xf32>, vector<16x256xf32>, vector<1x256xf32> -> vector<1x256xf32>
    %get3A_373 = arith.constant 0 : index
    %get3A_374 = arith.constant 0 : index
    %get3A_375 = vector.load %arg13[%get3A_373, %get3A_374] : memref<4112x256xf32, #tpu.memory_space<vmem>>, vector<4096x256xf32>
    %dot_general3A_376 = arith.constant dense<0.000000e+00> : vector<1x256xf32>
    %dot_general3A_377 = tpu.matmul %add3A_369, %get3A_375, %dot_general3A_376 {dimension_numbers = #tpu.dot_dimension_numbers<[1], [0], [0], [1], [0, 0, 1, 1], [], []>, transpose_lhs_hint = false} : vector<1x4096xf32>, vector<4096x256xf32>, vector<1x256xf32> -> vector<1x256xf32>
    %add3A_378 = arith.addf %dot_general3A_377, %dot_general3A_372 : vector<1x256xf32>
    %add3A_379 = arith.addf %add3A_378, %add3A_305 : vector<1x256xf32>
    %max3A_380 = arith.constant 0.000000e+00 : f32
    %max3A_381 = vector.broadcast %max3A_380 : f32 to vector<1x256xf32>
    %max3A_382 = arith.maximumf %add3A_379, %max3A_381 : vector<1x256xf32>
    %get3A_383 = arith.constant 0 : index
    %get3A_384 = arith.constant 0 : index
    %get3A_385 = vector.load %arg2[%get3A_383, %get3A_384] : memref<256x256xf32, #tpu.memory_space<vmem>>, vector<256x256xf32>
    %dot_general3A_386 = arith.constant dense<0.000000e+00> : vector<1x256xf32>
    %dot_general3A_387 = tpu.matmul %max3A_382, %get3A_385, %dot_general3A_386 {dimension_numbers = #tpu.dot_dimension_numbers<[1], [0], [0], [1], [0, 0, 1, 1], [], []>, transpose_lhs_hint = false} : vector<1x256xf32>, vector<256x256xf32>, vector<1x256xf32> -> vector<1x256xf32>
    %get3A_388 = arith.constant 0 : index
    %get3A_389 = arith.constant 0 : index
    %get3A_390 = vector.load %arg3[%get3A_388, %get3A_389] : memref<1x256xf32, #tpu.memory_space<vmem>>, vector<1x256xf32>
    %add3A_391 = arith.addf %dot_general3A_387, %get3A_390 : vector<1x256xf32>
    %max3A_392 = arith.constant 0.000000e+00 : f32
    %max3A_393 = vector.broadcast %max3A_392 : f32 to vector<1x256xf32>
    %max3A_394 = arith.maximumf %add3A_391, %max3A_393 : vector<1x256xf32>
    %get3A_395 = arith.constant 0 : index
    %get3A_396 = arith.constant 0 : index
    %get3A_397 = vector.load %arg4[%get3A_395, %get3A_396] : memref<256x4096xf32, #tpu.memory_space<vmem>>, vector<256x4096xf32>
    %dot_general3A_398 = arith.constant dense<0.000000e+00> : vector<1x4096xf32>
    %dot_general3A_399 = tpu.matmul %max3A_394, %get3A_397, %dot_general3A_398 {dimension_numbers = #tpu.dot_dimension_numbers<[1], [0], [0], [1], [0, 0, 1, 1], [], []>, transpose_lhs_hint = false} : vector<1x256xf32>, vector<256x4096xf32>, vector<1x4096xf32> -> vector<1x4096xf32>
    %get3A_400 = arith.constant 0 : index
    %get3A_401 = arith.constant 0 : index
    %get3A_402 = vector.load %arg5[%get3A_400, %get3A_401] : memref<1x4096xf32, #tpu.memory_space<vmem>>, vector<1x4096xf32>
    %add3A_403 = arith.addf %dot_general3A_399, %get3A_402 : vector<1x4096xf32>
    %mul3A_404 = arith.constant 0.946753859 : f32
    %mul3A_405 = vector.broadcast %mul3A_404 : f32 to vector<1x4096xf32>
    %mul3A_406 = arith.mulf %mul3A_405, %add3A_403 : vector<1x4096xf32>
    %sub3A_407 = arith.subf %add3A_369, %mul3A_406 : vector<1x4096xf32>
    %mul3A_408 = arith.constant 3.10599256 : f32
    %mul3A_409 = vector.broadcast %mul3A_408 : f32 to vector<1x4096xf32>
    %mul3A_410 = arith.mulf %sub3A_407, %mul3A_409 : vector<1x4096xf32>
    %jit3A_411 = arith.constant -2.000000e+01 : f32
    %jit3A_412 = arith.constant 2.000000e+01 : f32
    %max3A_413 = vector.broadcast %jit3A_411 : f32 to vector<1x4096xf32>
    %max3A_414 = arith.maximumf %max3A_413, %mul3A_410 : vector<1x4096xf32>
    %min3A_415 = vector.broadcast %jit3A_412 : f32 to vector<1x4096xf32>
    %min3A_416 = arith.minimumf %min3A_415, %max3A_414 : vector<1x4096xf32>
    %mul3A_417 = arith.constant 0.678597689 : f32
    %mul3A_418 = vector.broadcast %mul3A_417 : f32 to vector<1x4096xf32>
    %mul3A_419 = arith.mulf %mul3A_418, %min3A_416 : vector<1x4096xf32>
    %mul3A_420 = arith.constant 0.212511465 : f32
    %mul3A_421 = vector.broadcast %mul3A_420 : f32 to vector<1x4096xf32>
    %mul3A_422 = arith.mulf %mul3A_421, %add3A_369 : vector<1x4096xf32>
    %add3A_423 = arith.addf %mul3A_419, %mul3A_422 : vector<1x4096xf32>
    %get3A_424 = arith.constant 1 : index
    %get3A_425 = arith.constant 0 : index
    %get3A_426 = vector.load %arg8[%get3A_424, %get3A_425] : memref<2x4096xf32, #tpu.memory_space<vmem>>, vector<1x4096xf32>
    %mul3A_427 = arith.constant 0.633628427 : f32
    %mul3A_428 = vector.broadcast %mul3A_427 : f32 to vector<1x4096xf32>
    %mul3A_429 = arith.mulf %mul3A_428, %get3A_426 : vector<1x4096xf32>
    %add3A_430 = arith.addf %add3A_423, %mul3A_429 : vector<1x4096xf32>
    %slice3A_431 = vector.extract_strided_slice %get3A_308 {offsets = [0, 0], sizes = [1, 16], strides = [1, 1]} : vector<3x16xf32> to vector<1x16xf32>
    %dot_general3A_432 = arith.constant dense<0.000000e+00> : vector<1x256xf32>
    %dot_general3A_433 = tpu.matmul %slice3A_431, %get3A_314, %dot_general3A_432 {dimension_numbers = #tpu.dot_dimension_numbers<[1], [0], [0], [1], [0, 0, 1, 1], [], []>, transpose_lhs_hint = false} : vector<1x16xf32>, vector<16x256xf32>, vector<1x256xf32> -> vector<1x256xf32>
    %get3A_434 = arith.constant 0 : index
    %get3A_435 = arith.constant 0 : index
    %get3A_436 = vector.load %arg13[%get3A_434, %get3A_435] : memref<4112x256xf32, #tpu.memory_space<vmem>>, vector<4096x256xf32>
    %dot_general3A_437 = arith.constant dense<0.000000e+00> : vector<1x256xf32>
    %dot_general3A_438 = tpu.matmul %add3A_430, %get3A_436, %dot_general3A_437 {dimension_numbers = #tpu.dot_dimension_numbers<[1], [0], [0], [1], [0, 0, 1, 1], [], []>, transpose_lhs_hint = false} : vector<1x4096xf32>, vector<4096x256xf32>, vector<1x256xf32> -> vector<1x256xf32>
    %add3A_439 = arith.addf %dot_general3A_438, %dot_general3A_433 : vector<1x256xf32>
    %add3A_440 = arith.addf %add3A_439, %add3A_305 : vector<1x256xf32>
    %max3A_441 = arith.constant 0.000000e+00 : f32
    %max3A_442 = vector.broadcast %max3A_441 : f32 to vector<1x256xf32>
    %max3A_443 = arith.maximumf %add3A_440, %max3A_442 : vector<1x256xf32>
    %get3A_444 = arith.constant 0 : index
    %get3A_445 = arith.constant 0 : index
    %get3A_446 = vector.load %arg2[%get3A_444, %get3A_445] : memref<256x256xf32, #tpu.memory_space<vmem>>, vector<256x256xf32>
    %dot_general3A_447 = arith.constant dense<0.000000e+00> : vector<1x256xf32>
    %dot_general3A_448 = tpu.matmul %max3A_443, %get3A_446, %dot_general3A_447 {dimension_numbers = #tpu.dot_dimension_numbers<[1], [0], [0], [1], [0, 0, 1, 1], [], []>, transpose_lhs_hint = false} : vector<1x256xf32>, vector<256x256xf32>, vector<1x256xf32> -> vector<1x256xf32>
    %get3A_449 = arith.constant 0 : index
    %get3A_450 = arith.constant 0 : index
    %get3A_451 = vector.load %arg3[%get3A_449, %get3A_450] : memref<1x256xf32, #tpu.memory_space<vmem>>, vector<1x256xf32>
    %add3A_452 = arith.addf %dot_general3A_448, %get3A_451 : vector<1x256xf32>
    %max3A_453 = arith.constant 0.000000e+00 : f32
    %max3A_454 = vector.broadcast %max3A_453 : f32 to vector<1x256xf32>
    %max3A_455 = arith.maximumf %add3A_452, %max3A_454 : vector<1x256xf32>
    %get3A_456 = arith.constant 0 : index
    %get3A_457 = arith.constant 0 : index
    %get3A_458 = vector.load %arg4[%get3A_456, %get3A_457] : memref<256x4096xf32, #tpu.memory_space<vmem>>, vector<256x4096xf32>
    %dot_general3A_459 = arith.constant dense<0.000000e+00> : vector<1x4096xf32>
    %dot_general3A_460 = tpu.matmul %max3A_455, %get3A_458, %dot_general3A_459 {dimension_numbers = #tpu.dot_dimension_numbers<[1], [0], [0], [1], [0, 0, 1, 1], [], []>, transpose_lhs_hint = false} : vector<1x256xf32>, vector<256x4096xf32>, vector<1x4096xf32> -> vector<1x4096xf32>
    %get3A_461 = arith.constant 0 : index
    %get3A_462 = arith.constant 0 : index
    %get3A_463 = vector.load %arg5[%get3A_461, %get3A_462] : memref<1x4096xf32, #tpu.memory_space<vmem>>, vector<1x4096xf32>
    %add3A_464 = arith.addf %dot_general3A_460, %get3A_463 : vector<1x4096xf32>
    %mul3A_465 = arith.constant 0.664804399 : f32
    %mul3A_466 = vector.broadcast %mul3A_465 : f32 to vector<1x4096xf32>
    %mul3A_467 = arith.mulf %mul3A_466, %add3A_464 : vector<1x4096xf32>
    %sub3A_468 = arith.subf %add3A_430, %mul3A_467 : vector<1x4096xf32>
    %mul3A_469 = arith.constant 1.33865678 : f32
    %mul3A_470 = vector.broadcast %mul3A_469 : f32 to vector<1x4096xf32>
    %mul3A_471 = arith.mulf %sub3A_468, %mul3A_470 : vector<1x4096xf32>
    %jit3A_472 = arith.constant -2.000000e+01 : f32
    %jit3A_473 = arith.constant 2.000000e+01 : f32
    %max3A_474 = vector.broadcast %jit3A_472 : f32 to vector<1x4096xf32>
    %max3A_475 = arith.maximumf %max3A_474, %mul3A_471 : vector<1x4096xf32>
    %min3A_476 = vector.broadcast %jit3A_473 : f32 to vector<1x4096xf32>
    %min3A_477 = arith.minimumf %min3A_476, %max3A_475 : vector<1x4096xf32>
    %mul3A_478 = arith.constant 1.000000e+00 : f32
    %mul3A_479 = vector.broadcast %mul3A_478 : f32 to vector<1x4096xf32>
    %mul3A_480 = arith.mulf %mul3A_479, %min3A_477 : vector<1x4096xf32>
    %mul3A_481 = arith.constant 0.000000e+00 : f32
    %mul3A_482 = vector.broadcast %mul3A_481 : f32 to vector<1x4096xf32>
    %mul3A_483 = arith.mulf %mul3A_482, %add3A_430 : vector<1x4096xf32>
    %add3A_484 = arith.addf %mul3A_480, %mul3A_483 : vector<1x4096xf32>
    %swap3A = arith.constant 0 : index
    %swap3A_485 = arith.constant 0 : index
    %swap3A_486 = vector.load %arg10[%swap3A, %swap3A_485] : memref<1x4096xf32, #tpu.memory_space<vmem>>, vector<1x4096xf32>
    tpu.vector_store %arg10[%swap3A, %swap3A_485], %add3A_484 {strides = array<i32>} : memref<1x4096xf32, #tpu.memory_space<vmem>>, vector<1x4096xf32>,
    return
  }
}

</mosaic_0001>

<sc_bundles>
// kernel: kernel.11.cloned.1.call-start
scs
__scs_entry_jumppad:
0x0: {  	(pc) =	sbr.rel $0x88, $3  }
0x1: {  	(tag) =	ssettag $0x0;
	lr =	simm.s32 $0x1  }
0x2: {  	[smem:$0x3F97] =	sst lr;
	_ =	strace $0xD0000000  }
0x3: {  	_ = 	snop  }
0x4: {  	_ = 	snop  }
0x5: {  	_ = 	snop  }
0x6: {  	_ = 	snop  }
0x7: {  	_ = 	snop  }
__scs_overlays_trampoline_lowered:
0x8: {  	[smem:$0x3FA6] =	sst s0  }
0x9: {  	[smem:$0x3FA7] =	sst s1  }
0xa: {  	[smem:$0x3FA8] =	sst s2  }
0xb: {  	[smem:$0x3FA9] =	sst s3  }
0xc: {  	[smem:$0x3FAA] =	sst s4  }
0xd: {  	[smem:$0x3FAB] =	sst s5  }
0xe: {  	[smem:$0x3FAC] =	sst s6  }
0xf: {  	[smem:$0x3FAD] =	sst s7  }
0x10: {  	[smem:$0x3FAE] =	sst s8  }
0x11: {  	[smem:$0x3FAF] =	sst s9;
	s0 =	simm.s32 @!p0 $0x0  }
0x12: {  	s1 =	sld [smem:$0x3F95];
	s0 =	simm.s32 @p0 $0x1  }
0x13: {  	[smem:$0x3FB0] =	sst s0;
	s0 =	simm.s32 @!p1 $0x0  }
0x14: {  	s2 =	sld [smem:$0x3F94];
	s0 =	simm.s32 @p1 $0x1  }
0x15: {  	[smem:$0x3FB1] =	sst s0;
	s0 =	simm.s32 @!p2 $0x0  }
0x16: {  	s3 =	sld [smem:$0x3FDB];
	s0 =	simm.s32 @p2 $0x1  }
0x17: {  	s4 =	simm.s32 $0x1BF5;
	[smem:$0x3FB3] =	sst s0  }
0x18: {  	s0 =	sld [smem:$0x3F96];
	_ =	swait.ge [sflag:s4], $0x0  }
0x19: {  	s7 =	sld [smem:$0x3F97]  }
0x1a: {  	s8 =	sadd.s32 $0xFFFFE003, lr  }
0x1b: {  	s9 =	sadd.s32 $0xFFFFFEF7, lr;
	s5 =	simm.s32 $0xFFFFFFFF;
	p2 =	slt.u32 s8, $0xFFFFF086  }
0x1c: {  	p1 =	slt.u32 s9, $0xF7A;
	s5 =	simm.s32 @!p2 $0x0  }
0x1d: {  	s5 =	simm.s32 @p1 $0x1;
	p0 =	seq.s32 s7, s2  }
0x1e: {  	s7 =	smul.u32 @!p0 $0xF7A, s2;
	p2 =	seq.s32 @!p0 s5, $0x0  }
0x1f: {  	s9 =	smul.u32 $0xF7A, s1;
	s8 =	simm.s32 @!p0 $0x1BF5;
	p2 =	por !p2, p0  }
0x20: {  	[sflag:s8] =	ssyncset.s32 @!p0 $0xFFFFF086;
	s6 =	sadd.s32 @!p0 s3, s7;
	s7 =	simm.s32 @!p0 $0x108  }
0x21: {  	s3 =	sadd.s32 s3, s9;
	s6 =	sadd.s32 @!p0 $0x88, s6;
	s7 =	simm.s32 @p2 $0x1082  }
0x22: {  	[simem:s7], [sflag:s8] =	dma.local @!p0 [hbm:s6], $0xF7A  }
0x23: {  	s9 =	sor.u32 $0xD0000000, s2;
	s6 =	simm.s32 $0x108;
	_ =	swait.ge @!p0 [sflag:s8], $0x0  }
0x24: {  	s3 =	sadd.s32 $0x88, s3;
	s6 =	simm.s32 @!p1 $0x1082;
	[sflag:s4] =	ssyncset.s32 $0xFFFFF086  }
0x25: {  	[simem:s6], [sflag:s4] =	dma.local [hbm:s3], $0xF7A  }
0x26: {  	[smem:$0x3F97] =	sst s1;
	(tag) =	ssettag s2;
	_ =	strace s9  }
0x27: {  	s1 =	sld [smem:$0x3FA7]  }
0x28: {  	s2 =	sld [smem:$0x3FA8]  }
0x29: {  	s4 =	sld [smem:$0x3FAA]  }
0x2a: {  	p0 =	seq.s32 s5, $0x0;
	s5 =	sld [smem:$0x3FAB]  }
0x2b: {  	s6 =	sld [smem:$0x3FAC]  }
0x2c: {  	s7 =	sld [smem:$0x3FAD]  }
0x2d: {  	s3 =	simm.s32 $0x108;
	s8 =	sld [smem:$0x3FAE]  }
0x2e: {  	s3 =	simm.s32 @!p0 $0x1082;
	s9 =	sld [smem:$0x3FAF]  }
0x2f: {  	lr =	sadd.s32 s0, s3;
	s0 =	sld [smem:$0x3FA6]  }
0x30: {  	s3 =	sld [smem:$0x3FA9]  }
0x31: {  	[smem:$0x3FB2] =	sst s10  }
0x32: {  	s10 =	sld [smem:$0x3FB0];
	_ =	sdelay $0x3  }
0x33: {  	p0 =	seq.s32 s10, $0x1;
	s10 =	sld [smem:$0x3FB2];
	_ =	sdelay $0x3  }
0x34: {  	[smem:$0x3FB2] =	sst s10  }
0x35: {  	s10 =	sld [smem:$0x3FB1];
	_ =	sdelay $0x3  }
0x36: {  	p1 =	seq.s32 s10, $0x1;
	s10 =	sld [smem:$0x3FB2];
	_ =	sdelay $0x3  }
0x37: {  	[smem:$0x3FB2] =	sst s10  }
0x38: {  	s10 =	sld [smem:$0x3FB3]  }
0x39: {  	_ = 	snop;
	(pc) =	sbr.ind lr, $3  }
0x3a: {  	_ = 	snop  }
0x3b: {  	_ = 	snop  }
0x3c: {  	p2 =	seq.s32 s10, $0x1;
	s10 =	sld [smem:$0x3FB2]  }
0x3d: {  	_ =	shalt  }
0x3e: {  	_ =	shalt  }
0x3f: {  	_ =	shalt  }
0x40: {  	_ =	shalt  }
0x41: {  	_ =	shalt  }
0x42: {  	_ =	shalt  }
0x43: {  	_ =	shalt  }
0x44: {  	_ =	shalt  }
0x45: {  	_ =	shalt  }
0x46: {  	_ =	shalt  }
0x47: {  	_ =	shalt  }
0x48: {  	_ =	shalt  }
0x49: {  	_ =	shalt  }
0x4a: {  	_ =	shalt  }
0x4b: {  	_ =	shalt  }
0x4c: {  	_ =	shalt  }
0x4d: {  	_ =	shalt  }
0x4e: {  	_ =	shalt  }
0x4f: {  	_ =	shalt  }
0x50: {  	_ =	shalt  }
0x51: {  	_ =	shalt  }
0x52: {  	_ =	shalt  }
0x53: {  	_ =	shalt  }
0x54: {  	_ =	shalt  }
0x55: {  	_ =	shalt  }
0x56: {  	_ =	shalt  }
0x57: {  	_ =	shalt  }
0x58: {  	_ =	shalt  }
0x59: {  	_ =	shalt  }
0x5a: {  	_ =	shalt  }
0x5b: {  	_ =	shalt  }
0x5c: {  	_ =	shalt  }
0x5d: {  	_ =	shalt  }
0x5e: {  	_ =	shalt  }
0x5f: {  	_ =	shalt  }
0x60: {  	_ =	shalt  }
0x61: {  	_ =	shalt  }
0x62: {  	_ =	shalt  }
0x63: {  	_ =	shalt  }
0x64: {  	_ =	shalt  }
0x65: {  	_ =	shalt  }
0x66: {  	_ =	shalt  }
0x67: {  	_ =	shalt  }
0x68: {  	_ =	shalt  }
0x69: {  	_ =	shalt  }
0x6a: {  	_ =	shalt  }
0x6b: {  	_ =	shalt  }
0x6c: {  	_ =	shalt  }
0x6d: {  	_ =	shalt  }
0x6e: {  	_ =	shalt  }
0x6f: {  	_ =	shalt  }
0x70: {  	_ =	shalt  }
0x71: {  	_ =	shalt  }
0x72: {  	_ =	shalt  }
0x73: {  	_ =	shalt  }
0x74: {  	_ =	shalt  }
0x75: {  	_ =	shalt  }
0x76: {  	_ =	shalt  }
0x77: {  	_ =	shalt  }
0x78: {  	_ =	shalt  }
0x79: {  	_ =	shalt  }
0x7a: {  	_ =	shalt  }
0x7b: {  	_ =	shalt  }
0x7c: {  	_ =	shalt  }
0x7d: {  	_ =	shalt  }
0x7e: {  	_ =	shalt  }
0x7f: {  	_ =	shalt  }
0x80: {  	_ =	shalt  }
0x81: {  	_ =	shalt  }
0x82: {  	_ =	shalt  }
0x83: {  	_ =	shalt  }
0x84: {  	_ =	shalt  }
0x85: {  	_ =	shalt  }
0x86: {  	_ =	shalt  }
0x87: {  	_ =	shalt  }
.Lfunc_end0:
.L_simem_size_0:
called_computation.1_lowered:
.L_overlay_start_0:
0x88: {  	s2 =	sld [smem:$0x3FD9]  }
0x89: {  	s3 =	sld [smem:$0x3FFE];
	_ =	sdelay $0x1  }
0x8a: {  	s1 =	srdreg.scid  }
0x8b: {  	s0 =	sand.u32 $0x1, s1  }
0x8c: {  	s16 =	sshll.u32 s0, $0xA;
	s2 =	sadd.s32 s3, s2  }
0x8d: {  	s2 =	sadd.s32 s2, s16  }
0x8e: {  	[smem:$0x3FBE] =	sst s2  }
0x8f: {  	_ = 	snop  }
0x90: {  	(tm) =	ssettm $0x1  }
0x91: {  	s17 =	sld [smem:$0x3FFB];
	_ =	sdelay $0x3  }
0x92: {  	_ =	strace s17  }
0x93: {  	s2 =	sld [smem:$0x3FFC];
	_ =	sdelay $0x3  }
0x94: {  	_ =	strace s2  }
0x95: {  	s2 =	sld [smem:$0x3FFD];
	_ =	sdelay $0x3  }
0x96: {  	_ =	strace s2  }
0x97: {  	_ =	strace $0x8FFFFFFF  }
0x98: {  	s18 =	sld [smem:$0x3FDB];
	_ =	sdelay $0x1  }
0x99: {  	s19 =	simm.s32 $_scs_section_size  }
0x9a: {  	s4 =	simm.s32 $_size__tile_overlayer_lowered;
	s5 =	simm.s32 $_tile_overlayer_lowered  }
0x9b: {  	s22 =	simm.s32 $0x1BFF;
	s21 =	sshll.u32 s5, $0x1;
	s2 =	sadd.s32 s19, s18  }
0x9c: {  	s6 =	simm.s32 $0x0;
	s20 =	sshll.u32 s4, $0x1;
	s4 =	sadd.s32 s21, s2  }
0x9d: {  	[timem:s6], [sflag:s22] =	dma.local [hbm:s4], s20  }
0x9e: {  	_ =	swait.ge [sflag:s22], s20  }
0x9f: {  	s3 =	ssub.s32 $0x0, s20;
	[sflag:s22] =	ssyncset.done $0x0  }
0xa0: {  	[sflag:s22] =	ssyncadd.s32 s3;
	_ =	sdelay $0x1  }
0xa1: {  	s23 =	simm.s32 $0x1B8B  }
0xa2: {  	_ =	swait.ge [sflag:s23], $0x1  }
0xa3: {  	[sflag:s23] =	ssyncset.done $0x0  }
0xa4: {  	s25 =	simm.s32 $0x1B8E;
	s24 =	sld [smem:$0x3FFE];
	[sflag:s23] =	ssyncadd.s32 $0xFFFFFFFF  }
0xa5: {  	s26 =	simm.s32 $execute0_lowered;
	[smem:$0x3FD2] =	sst s25  }
0xa6: {  	s4 =	sshll.u32 s26, $0x1;
	_ =	strace $0x80000049;
	[dreg:$0x1] =	wrdreg $0xFFFFFFFF  }
0xa7: {  	s28 =	simm.s32 $_size_execute0_lowered;
	s2 =	sadd.s32 s2, s4;
	[dreg:$0x0] =	wrdreg $0x0  }
0xa8: {  	s4 =	sshll.u32 s28, $0x1;
	[dreg:$0x2] =	wrdreg s2  }
0xa9: {  	[dreg:$0x3] =	wrdreg s4  }
0xaa: {  	[dreg:$0x4] =	wrdreg $0xC0  }
0xab: {  	_ =	task [dreg:s6], $0x5FFFF  }
0xac: {  	[dreg:$0x1] =	wrdreg $0xFFFFFFFF  }
0xad: {  	[dreg:$0x0] =	wrdreg $0x60  }
0xae: {  	[dreg:$0x2] =	wrdreg s24  }
0xaf: {  	[dreg:$0x3] =	wrdreg $0x170200  }
0xb0: {  	[dreg:$0x4] =	wrdreg $0x9  }
0xb1: {  	_ =	task.clear_ibuf [dreg:s6], $0x5FFFF;
	_ =	strace $0x90000049  }
0xb2: {  	s29 =	simm.s32 $0x9;
	_ =	strace $0x8000004B  }
0xb3: {  	_ =	swait.ge [sflag:s29], $0x1  }
0xb4: {  	[sflag:s29] =	ssyncadd.s32 $0xFFFFFFFF  }
0xb5: {  	_ =	strace $0x9000004B  }
0xb6: {  	_ =	sfence  }
0xb7: {  	s30 =	sld [smem:$0x0];
	_ =	sdelay $0x2  }
0xb8: {  	s31 =	sshll.u32 s1, $0xD;
	s1 =	sshrl.u32 s1, $0x2  }
0xb9: {  	s3 =	sand.u32 $0x4000, s31;
	s1 =	sadd.s32 s1, s30  }
0xba: {  	s0 =	sor.u32 s3, s0;
	s1 =	sshll.u32 s1, $0x11  }
0xbb: {  	s0 =	sor.u32 s1, s0  }
0xbc: {  	s0 =	sadd.s32 $0x8F2B, s0  }
0xbd: {  	[sflag:s0] =	ssyncadd.remote.s32 $0x1  }
0xbe: {  	_ =	sfence.sel $0xFFFF  }
0xbf: {  	[dreg:$0x0] =	wrdreg $0xFFFFFFFF;
	(pc) =	sbr.abs _section_cstart, $3  }
0xc0: {  	[dreg:$0x1] =	wrdreg $0xFFFFFFFF  }
0xc1: {  	_ =	task.clear_ibuf [dreg:s6], $0x2FFFF;
	_ =	strace $0x9FFFFFFF  }
0xc2: {  	(tm) =	ssettm $0x7FFFFFFF  }
0xc3: {  	_ =	shalt  }
tec
execute0_lowered:
.L_overlay_start_1:
0x0: {  	(tag) =	ssettag $0x1  }
0x1: {  	s0 =	srdreg.scid  }
0x2: {  	s4 =	stileid.u32;
	s5 =	rddreg [dreg:$0x0]  }
0x3: {  	s2 =	rddreg [dreg:$0x1];
	s3 =	simm.s32 $0x0;
	s18 =	simm.s32 $0x7D0  }
0x4: {  	s19 =	simm.s32 $0xFA0;
	s20 =	simm.s32 $0x1770;
	s21 =	simm.s32 $0x1F40  }
0x5: {  	s22 =	simm.s32 $0x2710;
	s29 =	simm.s32 $0x4;
	s30 =	simm.s32 $0x1  }
0x6: {  	s31 =	simm.s32 $0x4E20;
	s28 =	simm.s32 $0x3;
	s0 =	sand.u32 $0x1, s0  }
0x7: {  	s6 =	smul.u32 $0x2800, s4;
	[smem:$0x7FF] =	sst s3;
	s1 =	sshll.u32 s0, $0x4  }
0x8: {  	s23 =	smul.u32 $0x28000, s0;
	s0 =	ssub.s32 $0x2, s0;
	s1 =	sor.u32 s4, s1  }
0x9: {  	_ =	strace $0x8000004A;
	s8 =	sshrl.u32 s0, $0x1;
	s1 =	smul.u32 $0x2710, s1  }
0xa: {  	s15 =	sadd.s32 s6, s2;
	s4 =	sadd.s32 s6, s23;
	s0 =	ssub.s32 s0, s8  }
0xb: {  	s23 =	simm.s32 $0x2EE0;
	s7 =	sshrl.u32 s4, $0x3;
	s1 =	sshrl.u32 s1, $0x3  }
0xc: {  	s4 =	sadd.s32 $0x16600, s5;
	s17 =	smax.u32 s0, $0x1;
	s1 =	sadd.s32 s1, s5  }
0xd: {  	s0 =	simm.s32 $0xCB20;
	s5 =	sadd.s32 s7, s5;
	s24 =	sadd.s32 $0x2C00, s1  }
0xe: {  	s25 =	sadd.s32 $0x2CFA, s1;
	s26 =	sadd.s32 $0x2DF4, s1;
	s8 =	sadd.s32 $0x2EEE, s1  }
0xf: {  	s9 =	sadd.s32 $0x2FE8, s1;
	s10 =	sadd.s32 $0xC840, s1;
	s11 =	sadd.s32 $0xC93A, s1  }
0x10: {  	s12 =	sadd.s32 $0xCA34, s1;
	s13 =	sadd.s32 $0xCB2E, s1;
	[dreg:$0x3] =	wrdreg s24  }
0x11: {  	s14 =	sadd.s32 $0xCC28, s1;
	s16 =	sadd.s32 $0x1B600, s5;
	[dreg:$0x4] =	wrdreg s25  }
0x12: {  	s1 =	simm.s32 $0x2;
	s5 =	simm.s32 $0x0;
	[dreg:$0x5] =	wrdreg s26  }
0x13: {  	v0 =	vimm.f32 $0.0e+00;
	s24 =	simm.s32 $0x36B0;
	s25 =	simm.s32 $0x3E80;
	s26 =	simm.s32 $0x4650  }
.LBB2_1:
0x14: {  	s6 =	rddreg [dreg:$0x3]  }
0x15: {  	[tilespmem:s3], [sflag:$0x1] =	stream.linear.gather [hbm4b:s6+s3], $0x7D0, $0x38;
	[tilespmem:$0x19820] =	vst v63  }
0x16: {  	s7 =	rddreg [dreg:$0x4]  }
0x17: {  	[tilespmem:s18], [sflag:$0x1] =	stream.linear.gather [hbm4b:s7+s3], $0x7D0, $0x38;
	[tilespmem:$0x19820] =	vst v63  }
0x18: {  	s7 =	rddreg [dreg:$0x5]  }
0x19: {  	[tilespmem:s19], [sflag:$0x1] =	stream.linear.gather [hbm4b:s7+s3], $0x7D0, $0x38;
	[tilespmem:$0x19820] =	vst v63  }
0x1a: {  	_ = 	snop  }
0x1b: {  	[tilespmem:s20], [sflag:$0x1] =	stream.linear.gather [hbm4b:s8+s3], $0x7D0, $0x38;
	[tilespmem:$0x19820] =	vst v63  }
0x1c: {  	_ = 	snop  }
0x1d: {  	[tilespmem:s21], [sflag:$0x1] =	stream.linear.gather [hbm4b:s9+s3], $0x7D0, $0x38;
	[tilespmem:$0x19820] =	vst v63  }
0x1e: {  	_ = 	snop  }
0x1f: {  	[tilespmem:s22], [sflag:$0x1] =	stream.linear.gather [hbm4b:s10+s3], $0x7D0, $0x38;
	[tilespmem:$0x19820] =	vst v63  }
0x20: {  	_ = 	snop  }
0x21: {  	[tilespmem:s23], [sflag:$0x1] =	stream.linear.gather [hbm4b:s11+s3], $0x7D0, $0x38;
	[tilespmem:$0x19820] =	vst v63  }
0x22: {  	_ = 	snop  }
0x23: {  	[tilespmem:s24], [sflag:$0x1] =	stream.linear.gather [hbm4b:s12+s3], $0x7D0, $0x38;
	[tilespmem:$0x19820] =	vst v63  }
0x24: {  	_ = 	snop  }
0x25: {  	[tilespmem:s25], [sflag:$0x1] =	stream.linear.gather [hbm4b:s13+s3], $0x7D0, $0x38;
	[tilespmem:$0x19820] =	vst v63  }
0x26: {  	s6 =	simm.s32 $0x40;
	s7 =	simm.s32 $0x0  }
0x27: {  	[tilespmem:s26], [sflag:$0x1] =	stream.linear.gather [hbm4b:s14+s3], $0x7D0, $0x38;
	[tilespmem:$0x19820] =	vst v63  }
.LBB2_2:
0x28: {  	p0 =	sne.s32 s6, $0x9FC0;
	[tilespmem:s7+$0x14820] =	vst v0;
	s7 =	smov.u32 s6;
	s6 =	sadd.s32 $0x40, s6  }
.Ltmp0:
0x29: {  	(pc) =	sbr.rel @p0 .LBB2_2-.Ltmp0, $2  }
0x2a: {  	_ =	sdelay $0x2  }
0x2b: {  	s7 =	sshra.s32 s7, $0x2  }
0x2c: {  	[tilespmem:s7+$0x14820] =	vst v0;
	s6 =	simm.s32 $0x14820  }
0x2d: {  	[spmem:s15] =	stream.linear.scatter [tilespmem:s6], [sflag:$0x4], $0x2800, $0x38;
	[tilespmem:$0x19820] =	vst v63  }
0x2e: {  	_ =	swait.ge [sflag:s29], $0x2800  }
0x2f: {  	[sflag:s29] =	ssyncset.done $0x0  }
0x30: {  	[sflag:s29] =	ssyncadd.s32 $0xFFFFD800  }
0x31: {  	_ =	swait.ge [sflag:s30], $0x7D0  }
0x32: {  	[sflag:s30] =	ssyncset.done $0x0  }
0x33: {  	[sflag:s30] =	ssyncadd.s32 $0xFFFFF830  }
0x34: {  	_ =	swait.ge [sflag:s30], $0x7D0  }
0x35: {  	[sflag:s30] =	ssyncset.done $0x0  }
0x36: {  	[sflag:s30] =	ssyncadd.s32 $0xFFFFF830  }
0x37: {  	_ =	swait.ge [sflag:s30], $0x7D0  }
0x38: {  	[sflag:s30] =	ssyncset.done $0x0  }
0x39: {  	[sflag:s30] =	ssyncadd.s32 $0xFFFFF830  }
0x3a: {  	_ =	swait.ge [sflag:s30], $0x7D0  }
0x3b: {  	[sflag:s30] =	ssyncset.done $0x0  }
0x3c: {  	[sflag:s30] =	ssyncadd.s32 $0xFFFFF830  }
0x3d: {  	_ =	swait.ge [sflag:s30], $0x7D0  }
0x3e: {  	[sflag:s30] =	ssyncset.done $0x0  }
0x3f: {  	[sflag:s30] =	ssyncadd.s32 $0xFFFFF830  }
0x40: {  	_ =	swait.ge [sflag:s30], $0x7D0  }
0x41: {  	[sflag:s30] =	ssyncset.done $0x0  }
0x42: {  	[sflag:s30] =	ssyncadd.s32 $0xFFFFF830  }
0x43: {  	_ =	swait.ge [sflag:s30], $0x7D0  }
0x44: {  	[sflag:s30] =	ssyncset.done $0x0  }
0x45: {  	[sflag:s30] =	ssyncadd.s32 $0xFFFFF830  }
0x46: {  	_ =	swait.ge [sflag:s30], $0x7D0  }
0x47: {  	[sflag:s30] =	ssyncset.done $0x0  }
0x48: {  	[sflag:s30] =	ssyncadd.s32 $0xFFFFF830  }
0x49: {  	_ =	swait.ge [sflag:s30], $0x7D0  }
0x4a: {  	[sflag:s30] =	ssyncset.done $0x0  }
0x4b: {  	[sflag:s30] =	ssyncadd.s32 $0xFFFFF830  }
0x4c: {  	_ =	swait.ge [sflag:s30], $0x7D0  }
0x4d: {  	[sflag:s30] =	ssyncset.done $0x0  }
0x4e: {  	[sflag:s30] =	ssyncadd.s32 $0xFFFFF830  }
0x4f: {  	[bflag:$0x0] =	sbarrier.arrive $0xFFFF  }
0x50: {  	[tilespmem:s31], [sflag:$0x2] =	stream.indirect.gather [hbm4b:s4+s18], $0x10, s3, s18, $0xb8;
	[tilespmem:$0x19820] =	vst v63  }
0x51: {  	_ =	swait.ge [sflag:s1], $0x7D00  }
0x52: {  	[sflag:s1] =	ssyncset.done $0x0  }
0x53: {  	[sflag:s1] =	ssyncadd.s32 $0xFFFF8300  }
0x54: {  	[tilespmem:s0], [sflag:$0x3] =	stream.indirect.gather [hbm4b:s4+s18], $0x10, s18, s18, $0xb8;
	[tilespmem:$0x19820] =	vst v63  }
0x55: {  	_ = 	snop  }
0x56: {  	[spmem:s2] =	stream.indirect.scatter.add.f32 [tilespmem:s31], [sflag:$0x4], $0x10, s22, s18, $0xb8;
	[tilespmem:$0x19820] =	vst v63  }
0x57: {  	_ =	swait.ge [sflag:s29], $0x7D00  }
0x58: {  	[sflag:s29] =	ssyncset.done $0x0  }
0x59: {  	[sflag:s29] =	ssyncadd.s32 $0xFFFF8300  }
0x5a: {  	_ =	swait.ge [sflag:s28], $0x7D00  }
0x5b: {  	[sflag:s28] =	ssyncset.done $0x0  }
0x5c: {  	[sflag:s28] =	ssyncadd.s32 $0xFFFF8300  }
0x5d: {  	[tilespmem:s31], [sflag:$0x2] =	stream.indirect.gather [hbm4b:s4+s18], $0x10, s19, s18, $0xb8;
	[tilespmem:$0x19820] =	vst v63  }
0x5e: {  	_ = 	snop  }
0x5f: {  	[spmem:s2] =	stream.indirect.scatter.add.f32 [tilespmem:s0], [sflag:$0x4], $0x10, s23, s18, $0xb8;
	[tilespmem:$0x19820] =	vst v63  }
0x60: {  	_ =	swait.ge [sflag:s29], $0x7D00  }
0x61: {  	[sflag:s29] =	ssyncset.done $0x0  }
0x62: {  	[sflag:s29] =	ssyncadd.s32 $0xFFFF8300  }
0x63: {  	_ =	swait.ge [sflag:s1], $0x7D00  }
0x64: {  	[sflag:s1] =	ssyncset.done $0x0  }
0x65: {  	[sflag:s1] =	ssyncadd.s32 $0xFFFF8300  }
0x66: {  	[tilespmem:s0], [sflag:$0x3] =	stream.indirect.gather [hbm4b:s4+s18], $0x10, s20, s18, $0xb8;
	[tilespmem:$0x19820] =	vst v63  }
0x67: {  	_ = 	snop  }
0x68: {  	[spmem:s2] =	stream.indirect.scatter.add.f32 [tilespmem:s31], [sflag:$0x4], $0x10, s24, s18, $0xb8;
	[tilespmem:$0x19820] =	vst v63  }
0x69: {  	_ =	swait.ge [sflag:s29], $0x7D00  }
0x6a: {  	[sflag:s29] =	ssyncset.done $0x0  }
0x6b: {  	[sflag:s29] =	ssyncadd.s32 $0xFFFF8300  }
0x6c: {  	_ =	swait.ge [sflag:s28], $0x7D00  }
0x6d: {  	[sflag:s28] =	ssyncset.done $0x0  }
0x6e: {  	[sflag:s28] =	ssyncadd.s32 $0xFFFF8300  }
0x6f: {  	[tilespmem:s31], [sflag:$0x2] =	stream.indirect.gather [hbm4b:s4+s18], $0x10, s21, s18, $0xb8;
	[tilespmem:$0x19820] =	vst v63  }
0x70: {  	_ = 	snop  }
0x71: {  	[spmem:s2] =	stream.indirect.scatter.add.f32 [tilespmem:s0], [sflag:$0x4], $0x10, s25, s18, $0xb8;
	[tilespmem:$0x19820] =	vst v63  }
0x72: {  	_ =	swait.ge [sflag:s29], $0x7D00  }
0x73: {  	[sflag:s29] =	ssyncset.done $0x0  }
0x74: {  	[sflag:s29] =	ssyncadd.s32 $0xFFFF8300  }
0x75: {  	_ =	swait.ge [sflag:s1], $0x7D00  }
0x76: {  	[sflag:s1] =	ssyncset.done $0x0  }
0x77: {  	[sflag:s1] =	ssyncadd.s32 $0xFFFF8300  }
0x78: {  	[spmem:s2] =	stream.indirect.scatter.add.f32 [tilespmem:s31], [sflag:$0x4], $0x10, s26, s18, $0xb8;
	[tilespmem:$0x19820] =	vst v63  }
0x79: {  	s7 =	stileid.u32;
	_ =	swait.ge [sflag:s29], $0x7D00  }
0x7a: {  	s5 =	sadd.s32 $0x1, s5;
	s6 =	sshll.u32 s7, $0x6;
	[sflag:s29] =	ssyncset.done $0x0  }
0x7b: {  	s7 =	sshrl.u32 s15, $0x3;
	p0 =	sne.s32 s5, s17;
	[sflag:s29] =	ssyncadd.s32 $0xFFFF8300  }
.Ltmp1:
0x7c: {  	s6 =	sor.u32 $0x1C04, s6;
	[bflag:$0x0] =	sbarrier.arrive $0xFFFF;
	(pc) =	sbr.rel @p0 .LBB2_1-.Ltmp1, $4  }
0x7d: {  	[hbm:s16], [sflag:s6] =	dma.local [spmem:s7], $0x500  }
0x7e: {  	_ =	swait.ge [sflag:s29], $0x500  }
0x7f: {  	[sflag:s29] =	ssyncset.done $0x0  }
0x80: {  	[sflag:s29] =	ssyncadd.s32 $0xFFFFFB00  }
0x81: {  	_ =	sfence.sel $0x180000  }
0x82: {  	[bflag:$0x0] =	sbarrier.arrive $0xFFFF  }
0x83: {  	_ =	strace $0x9000004A  }
0x84: {  	s0 =	stileid.u32;
	[bflag:$0x2] =	sbarrier.arrive $0xFFFF  }
0x85: {  	p0 =	sne.s32 s0, $0x0;
	s0 =	rddreg [dreg:$0x2]  }
0x86: {  	s0 =	sadd.s32 @!p0 $0x100000, s0  }
0x87: {  	[sflag:s0] =	ssyncadd.tile.s32 @!p0 $0x1;
	_ =	shalt  }
.Lfunc_end2:
_tile_overlayer_lowered:
.L_overlay_start_2:
0x88: {  	(tag) =	ssettag $0x2  }
0x89: {  	s0 =	rddreg [dreg:$0x0];
	s2 =	stileid.u32  }
0x8a: {  	s1 =	rddreg [dreg:$0x1];
	p0 =	sne.s32 s2, $0x0  }
0x8b: {  	s3 =	rddreg [dreg:$0x2];
	[bflag:$0x3] =	sbarrier.arrive $0xFFFF;
	s2 =	simm.s32 @!p0 $0x1C04  }
0x8c: {  	[timem:s3], [sflag:s2] =	dma.local @!p0 [hbm:s0], s1  }
0x8d: {  	s0 =	simm.s32 @!p0 $0x4  }
0x8e: {  	_ =	swait.ge @!p0 [sflag:s0], s1  }
0x8f: {  	s1 =	ssub.s32 @!p0 $0x0, s1;
	[sflag:s0] =	ssyncset.done @!p0 $0x0  }
0x90: {  	[sflag:s0] =	ssyncadd.s32 @!p0 s1  }
0x91: {  	[bflag:$0x3] =	sbarrier.arrive $0xFFFF  }
0x92: {  	_ =	shalt  }

// kernel: kernel.8.cloned.1.call-start
scs
__scs_entry_jumppad:
0x0: {  	(pc) =	sbr.rel $0x88, $3  }
0x1: {  	(tag) =	ssettag $0x0;
	lr =	simm.s32 $0x1  }
0x2: {  	[smem:$0x3F97] =	sst lr;
	_ =	strace $0xD0000000  }
0x3: {  	_ = 	snop  }
0x4: {  	_ = 	snop  }
0x5: {  	_ = 	snop  }
0x6: {  	_ = 	snop  }
0x7: {  	_ = 	snop  }
__scs_overlays_trampoline_lowered:
0x8: {  	[smem:$0x3FA6] =	sst s0  }
0x9: {  	[smem:$0x3FA7] =	sst s1  }
0xa: {  	[smem:$0x3FA8] =	sst s2  }
0xb: {  	[smem:$0x3FA9] =	sst s3  }
0xc: {  	[smem:$0x3FAA] =	sst s4  }
0xd: {  	[smem:$0x3FAB] =	sst s5  }
0xe: {  	[smem:$0x3FAC] =	sst s6  }
0xf: {  	[smem:$0x3FAD] =	sst s7  }
0x10: {  	[smem:$0x3FAE] =	sst s8  }
0x11: {  	[smem:$0x3FAF] =	sst s9;
	s0 =	simm.s32 @!p0 $0x0  }
0x12: {  	s1 =	sld [smem:$0x3F95];
	s0 =	simm.s32 @p0 $0x1  }
0x13: {  	[smem:$0x3FB0] =	sst s0;
	s0 =	simm.s32 @!p1 $0x0  }
0x14: {  	s2 =	sld [smem:$0x3F94];
	s0 =	simm.s32 @p1 $0x1  }
0x15: {  	[smem:$0x3FB1] =	sst s0;
	s0 =	simm.s32 @!p2 $0x0  }
0x16: {  	s3 =	sld [smem:$0x3FDB];
	s0 =	simm.s32 @p2 $0x1  }
0x17: {  	s4 =	simm.s32 $0x1BF5;
	[smem:$0x3FB3] =	sst s0  }
0x18: {  	s0 =	sld [smem:$0x3F96];
	_ =	swait.ge [sflag:s4], $0x0  }
0x19: {  	s7 =	sld [smem:$0x3F97]  }
0x1a: {  	s8 =	sadd.s32 $0xFFFFE003, lr  }
0x1b: {  	s9 =	sadd.s32 $0xFFFFFEF7, lr;
	s5 =	simm.s32 $0xFFFFFFFF;
	p2 =	slt.u32 s8, $0xFFFFF086  }
0x1c: {  	p1 =	slt.u32 s9, $0xF7A;
	s5 =	simm.s32 @!p2 $0x0  }
0x1d: {  	s5 =	simm.s32 @p1 $0x1;
	p0 =	seq.s32 s7, s2  }
0x1e: {  	s7 =	smul.u32 @!p0 $0xF7A, s2;
	p2 =	seq.s32 @!p0 s5, $0x0  }
0x1f: {  	s9 =	smul.u32 $0xF7A, s1;
	s8 =	simm.s32 @!p0 $0x1BF5;
	p2 =	por !p2, p0  }
0x20: {  	[sflag:s8] =	ssyncset.s32 @!p0 $0xFFFFF086;
	s6 =	sadd.s32 @!p0 s3, s7;
	s7 =	simm.s32 @!p0 $0x108  }
0x21: {  	s3 =	sadd.s32 s3, s9;
	s6 =	sadd.s32 @!p0 $0x88, s6;
	s7 =	simm.s32 @p2 $0x1082  }
0x22: {  	[simem:s7], [sflag:s8] =	dma.local @!p0 [hbm:s6], $0xF7A  }
0x23: {  	s9 =	sor.u32 $0xD0000000, s2;
	s6 =	simm.s32 $0x108;
	_ =	swait.ge @!p0 [sflag:s8], $0x0  }
0x24: {  	s3 =	sadd.s32 $0x88, s3;
	s6 =	simm.s32 @!p1 $0x1082;
	[sflag:s4] =	ssyncset.s32 $0xFFFFF086  }
0x25: {  	[simem:s6], [sflag:s4] =	dma.local [hbm:s3], $0xF7A  }
0x26: {  	[smem:$0x3F97] =	sst s1;
	(tag) =	ssettag s2;
	_ =	strace s9  }
0x27: {  	s1 =	sld [smem:$0x3FA7]  }
0x28: {  	s2 =	sld [smem:$0x3FA8]  }
0x29: {  	s4 =	sld [smem:$0x3FAA]  }
0x2a: {  	p0 =	seq.s32 s5, $0x0;
	s5 =	sld [smem:$0x3FAB]  }
0x2b: {  	s6 =	sld [smem:$0x3FAC]  }
0x2c: {  	s7 =	sld [smem:$0x3FAD]  }
0x2d: {  	s3 =	simm.s32 $0x108;
	s8 =	sld [smem:$0x3FAE]  }
0x2e: {  	s3 =	simm.s32 @!p0 $0x1082;
	s9 =	sld [smem:$0x3FAF]  }
0x2f: {  	lr =	sadd.s32 s0, s3;
	s0 =	sld [smem:$0x3FA6]  }
0x30: {  	s3 =	sld [smem:$0x3FA9]  }
0x31: {  	[smem:$0x3FB2] =	sst s10  }
0x32: {  	s10 =	sld [smem:$0x3FB0];
	_ =	sdelay $0x3  }
0x33: {  	p0 =	seq.s32 s10, $0x1;
	s10 =	sld [smem:$0x3FB2];
	_ =	sdelay $0x3  }
0x34: {  	[smem:$0x3FB2] =	sst s10  }
0x35: {  	s10 =	sld [smem:$0x3FB1];
	_ =	sdelay $0x3  }
0x36: {  	p1 =	seq.s32 s10, $0x1;
	s10 =	sld [smem:$0x3FB2];
	_ =	sdelay $0x3  }
0x37: {  	[smem:$0x3FB2] =	sst s10  }
0x38: {  	s10 =	sld [smem:$0x3FB3]  }
0x39: {  	_ = 	snop;
	(pc) =	sbr.ind lr, $3  }
0x3a: {  	_ = 	snop  }
0x3b: {  	_ = 	snop  }
0x3c: {  	p2 =	seq.s32 s10, $0x1;
	s10 =	sld [smem:$0x3FB2]  }
0x3d: {  	_ =	shalt  }
0x3e: {  	_ =	shalt  }
0x3f: {  	_ =	shalt  }
0x40: {  	_ =	shalt  }
0x41: {  	_ =	shalt  }
0x42: {  	_ =	shalt  }
0x43: {  	_ =	shalt  }
0x44: {  	_ =	shalt  }
0x45: {  	_ =	shalt  }
0x46: {  	_ =	shalt  }
0x47: {  	_ =	shalt  }
0x48: {  	_ =	shalt  }
0x49: {  	_ =	shalt  }
0x4a: {  	_ =	shalt  }
0x4b: {  	_ =	shalt  }
0x4c: {  	_ =	shalt  }
0x4d: {  	_ =	shalt  }
0x4e: {  	_ =	shalt  }
0x4f: {  	_ =	shalt  }
0x50: {  	_ =	shalt  }
0x51: {  	_ =	shalt  }
0x52: {  	_ =	shalt  }
0x53: {  	_ =	shalt  }
0x54: {  	_ =	shalt  }
0x55: {  	_ =	shalt  }
0x56: {  	_ =	shalt  }
0x57: {  	_ =	shalt  }
0x58: {  	_ =	shalt  }
0x59: {  	_ =	shalt  }
0x5a: {  	_ =	shalt  }
0x5b: {  	_ =	shalt  }
0x5c: {  	_ =	shalt  }
0x5d: {  	_ =	shalt  }
0x5e: {  	_ =	shalt  }
0x5f: {  	_ =	shalt  }
0x60: {  	_ =	shalt  }
0x61: {  	_ =	shalt  }
0x62: {  	_ =	shalt  }
0x63: {  	_ =	shalt  }
0x64: {  	_ =	shalt  }
0x65: {  	_ =	shalt  }
0x66: {  	_ =	shalt  }
0x67: {  	_ =	shalt  }
0x68: {  	_ =	shalt  }
0x69: {  	_ =	shalt  }
0x6a: {  	_ =	shalt  }
0x6b: {  	_ =	shalt  }
0x6c: {  	_ =	shalt  }
0x6d: {  	_ =	shalt  }
0x6e: {  	_ =	shalt  }
0x6f: {  	_ =	shalt  }
0x70: {  	_ =	shalt  }
0x71: {  	_ =	shalt  }
0x72: {  	_ =	shalt  }
0x73: {  	_ =	shalt  }
0x74: {  	_ =	shalt  }
0x75: {  	_ =	shalt  }
0x76: {  	_ =	shalt  }
0x77: {  	_ =	shalt  }
0x78: {  	_ =	shalt  }
0x79: {  	_ =	shalt  }
0x7a: {  	_ =	shalt  }
0x7b: {  	_ =	shalt  }
0x7c: {  	_ =	shalt  }
0x7d: {  	_ =	shalt  }
0x7e: {  	_ =	shalt  }
0x7f: {  	_ =	shalt  }
0x80: {  	_ =	shalt  }
0x81: {  	_ =	shalt  }
0x82: {  	_ =	shalt  }
0x83: {  	_ =	shalt  }
0x84: {  	_ =	shalt  }
0x85: {  	_ =	shalt  }
0x86: {  	_ =	shalt  }
0x87: {  	_ =	shalt  }
.Lfunc_end0:
.L_simem_size_0:
called_computation_lowered:
.L_overlay_start_0:
0x88: {  	s2 =	sld [smem:$0x3FD9]  }
0x89: {  	s3 =	sld [smem:$0x3FFE];
	_ =	sdelay $0x1  }
0x8a: {  	s1 =	srdreg.scid  }
0x8b: {  	s0 =	sand.u32 $0x1, s1  }
0x8c: {  	s16 =	sshll.u32 s0, $0xA;
	s2 =	sadd.s32 s3, s2  }
0x8d: {  	s2 =	sadd.s32 s2, s16  }
0x8e: {  	[smem:$0x3FBE] =	sst s2  }
0x8f: {  	_ = 	snop  }
0x90: {  	(tm) =	ssettm $0x1  }
0x91: {  	s17 =	sld [smem:$0x3FFB];
	_ =	sdelay $0x3  }
0x92: {  	_ =	strace s17  }
0x93: {  	s2 =	sld [smem:$0x3FFC];
	_ =	sdelay $0x3  }
0x94: {  	_ =	strace s2  }
0x95: {  	s2 =	sld [smem:$0x3FFD];
	_ =	sdelay $0x3  }
0x96: {  	_ =	strace s2  }
0x97: {  	_ =	strace $0x8FFFFFFF  }
0x98: {  	s18 =	sld [smem:$0x3FDB];
	_ =	sdelay $0x1  }
0x99: {  	s19 =	simm.s32 $_scs_section_size  }
0x9a: {  	s4 =	simm.s32 $_size__tile_overlayer_lowered;
	s5 =	simm.s32 $_tile_overlayer_lowered  }
0x9b: {  	s22 =	simm.s32 $0x1BFF;
	s21 =	sshll.u32 s5, $0x1;
	s2 =	sadd.s32 s19, s18  }
0x9c: {  	s6 =	simm.s32 $0x0;
	s20 =	sshll.u32 s4, $0x1;
	s4 =	sadd.s32 s21, s2  }
0x9d: {  	[timem:s6], [sflag:s22] =	dma.local [hbm:s4], s20  }
0x9e: {  	_ =	swait.ge [sflag:s22], s20  }
0x9f: {  	s3 =	ssub.s32 $0x0, s20;
	[sflag:s22] =	ssyncset.done $0x0  }
0xa0: {  	[sflag:s22] =	ssyncadd.s32 s3;
	_ =	sdelay $0x1  }
0xa1: {  	s23 =	simm.s32 $0x1B8B  }
0xa2: {  	_ =	swait.ge [sflag:s23], $0x1  }
0xa3: {  	[sflag:s23] =	ssyncset.done $0x0  }
0xa4: {  	s25 =	simm.s32 $0x1B8E;
	s24 =	sld [smem:$0x3FFE];
	[sflag:s23] =	ssyncadd.s32 $0xFFFFFFFF  }
0xa5: {  	s26 =	simm.s32 $execute0_lowered;
	[smem:$0x3FD2] =	sst s25  }
0xa6: {  	s4 =	sshll.u32 s26, $0x1;
	_ =	strace $0x80000046;
	[dreg:$0x1] =	wrdreg $0xFFFFFFFF  }
0xa7: {  	s28 =	simm.s32 $_size_execute0_lowered;
	s2 =	sadd.s32 s2, s4;
	[dreg:$0x0] =	wrdreg $0x0  }
0xa8: {  	s4 =	sshll.u32 s28, $0x1;
	[dreg:$0x2] =	wrdreg s2  }
0xa9: {  	[dreg:$0x3] =	wrdreg s4  }
0xaa: {  	[dreg:$0x4] =	wrdreg $0xC0  }
0xab: {  	_ =	task [dreg:s6], $0x5FFFF  }
0xac: {  	[dreg:$0x1] =	wrdreg $0xFFFFFFFF  }
0xad: {  	[dreg:$0x0] =	wrdreg $0x60  }
0xae: {  	[dreg:$0x2] =	wrdreg s24  }
0xaf: {  	[dreg:$0x3] =	wrdreg $0x31600  }
0xb0: {  	[dreg:$0x4] =	wrdreg $0x9  }
0xb1: {  	_ =	task.clear_ibuf [dreg:s6], $0x5FFFF;
	_ =	strace $0x90000046  }
0xb2: {  	s29 =	simm.s32 $0x9;
	_ =	strace $0x80000048  }
0xb3: {  	_ =	swait.ge [sflag:s29], $0x1  }
0xb4: {  	[sflag:s29] =	ssyncadd.s32 $0xFFFFFFFF  }
0xb5: {  	_ =	strace $0x90000048  }
0xb6: {  	_ =	sfence  }
0xb7: {  	s30 =	sld [smem:$0x0];
	_ =	sdelay $0x2  }
0xb8: {  	s31 =	sshll.u32 s1, $0xD;
	s1 =	sshrl.u32 s1, $0x2  }
0xb9: {  	s3 =	sand.u32 $0x4000, s31;
	s1 =	sadd.s32 s1, s30  }
0xba: {  	s0 =	sor.u32 s3, s0;
	s1 =	sshll.u32 s1, $0x11  }
0xbb: {  	s0 =	sor.u32 s1, s0  }
0xbc: {  	s0 =	sadd.s32 $0x8F2B, s0  }
0xbd: {  	[sflag:s0] =	ssyncadd.remote.s32 $0x1  }
0xbe: {  	_ =	sfence.sel $0xFFFF  }
0xbf: {  	[dreg:$0x0] =	wrdreg $0xFFFFFFFF;
	(pc) =	sbr.abs _section_cstart, $3  }
0xc0: {  	[dreg:$0x1] =	wrdreg $0xFFFFFFFF  }
0xc1: {  	_ =	task.clear_ibuf [dreg:s6], $0x2FFFF;
	_ =	strace $0x9FFFFFFF  }
0xc2: {  	(tm) =	ssettm $0x7FFFFFFF  }
0xc3: {  	_ =	shalt  }
tec
execute0_lowered:
.L_overlay_start_1:
0x0: {  	(tag) =	ssettag $0x1  }
0x1: {  	s4 =	rddreg [dreg:$0x0]  }
0x2: {  	s0 =	srdreg.scid;
	s2 =	rddreg [dreg:$0x1]  }
0x3: {  	s1 =	stileid.u32;
	s3 =	simm.s32 $0x0;
	s12 =	simm.s32 $0x7D0  }
0x4: {  	s13 =	simm.s32 $0xFA0;
	s14 =	simm.s32 $0x1770;
	s15 =	simm.s32 $0x1F40  }
0x5: {  	s16 =	simm.s32 $0x2EE0;
	s17 =	simm.s32 $0x2;
	s18 =	simm.s32 $0x1  }
0x6: {  	s19 =	simm.s32 $0x2710;
	s5 =	sand.u32 $0x1, s0;
	s0 =	rddreg [dreg:$0x2]  }
0x7: {  	s22 =	simm.s32 $0x0;
	s9 =	smul.u32 $0x280, s1;
	[smem:$0x7FF] =	sst s3  }
0x8: {  	s20 =	sshll.u32 s1, $0x6;
	s6 =	sshll.u32 s5, $0x4;
	s7 =	smul.u32 $0x2800, s5  }
0x9: {  	_ =	strace $0x80000047;
	s5 =	ssub.s32 $0x2, s5;
	s6 =	sor.u32 s1, s6  }
0xa: {  	s20 =	sor.u32 $0x1C02, s20;
	s31 =	sshrl.u32 s5, $0x1;
	s6 =	smul.u32 $0x2710, s6  }
0xb: {  	s7 =	sadd.s32 s9, s7;
	s11 =	ssub.s32 s5, s31;
	s9 =	sadd.s32 s9, s2  }
0xc: {  	s7 =	sshrl.u32 s7, $0x3;
	s11 =	smax.u32 s11, $0x1;
	s6 =	sshrl.u32 s6, $0x3  }
0xd: {  	s21 =	sshrl.u32 s9, $0x3;
	s10 =	sadd.s32 s7, s4;
	s8 =	sadd.s32 s6, s4  }
0xe: {  	s10 =	sadd.s32 $0x16600, s10;
	s4 =	sadd.s32 $0xC840, s8;
	s5 =	sadd.s32 $0xC93A, s8  }
0xf: {  	v0 =	vimm.f32 $0.0e+00;
	v1 =	vimm.f32 $1.000000000e+00;
	s6 =	sadd.s32 $0xCA34, s8;
	s7 =	sadd.s32 $0xCB2E, s8;
	s8 =	sadd.s32 $0xCC28, s8  }
.LBB2_1:
0x10: {  	[tilespmem:s3], [sflag:$0x1] =	stream.linear.gather [hbm4b:s4+s3], $0x7D0, $0x38;
	[tilespmem:$0x33E0] =	vst v63  }
0x11: {  	_ = 	snop  }
0x12: {  	[tilespmem:s12], [sflag:$0x1] =	stream.linear.gather [hbm4b:s5+s3], $0x7D0, $0x38;
	[tilespmem:$0x33E0] =	vst v63  }
0x13: {  	_ = 	snop  }
0x14: {  	[tilespmem:s13], [sflag:$0x1] =	stream.linear.gather [hbm4b:s6+s3], $0x7D0, $0x38;
	[tilespmem:$0x33E0] =	vst v63  }
0x15: {  	_ = 	snop  }
0x16: {  	[tilespmem:s14], [sflag:$0x1] =	stream.linear.gather [hbm4b:s7+s3], $0x7D0, $0x38;
	[tilespmem:$0x33E0] =	vst v63  }
0x17: {  	_ = 	snop  }
0x18: {  	[tilespmem:s15], [sflag:$0x1] =	stream.linear.gather [hbm4b:s8+s3], $0x7D0, $0x38;
	[tilespmem:$0x33E0] =	vst v63  }
0x19: {  	[tilespmem:$0x2EE0] =	vst v0  }
0x1a: {  	[tilespmem:$0x2EF0] =	vst v0  }
0x1b: {  	[tilespmem:$0x2F00] =	vst v0  }
0x1c: {  	[tilespmem:$0x2F10] =	vst v0  }
0x1d: {  	[tilespmem:$0x2F20] =	vst v0  }
0x1e: {  	[tilespmem:$0x2F30] =	vst v0  }
0x1f: {  	[tilespmem:$0x2F40] =	vst v0  }
0x20: {  	[tilespmem:$0x2F50] =	vst v0  }
0x21: {  	[tilespmem:$0x2F60] =	vst v0  }
0x22: {  	[tilespmem:$0x2F70] =	vst v0  }
0x23: {  	[tilespmem:$0x2F80] =	vst v0  }
0x24: {  	[tilespmem:$0x2F90] =	vst v0  }
0x25: {  	[tilespmem:$0x2FA0] =	vst v0  }
0x26: {  	[tilespmem:$0x2FB0] =	vst v0  }
0x27: {  	[tilespmem:$0x2FC0] =	vst v0  }
0x28: {  	[tilespmem:$0x2FD0] =	vst v0  }
0x29: {  	[tilespmem:$0x2FE0] =	vst v0  }
0x2a: {  	[tilespmem:$0x2FF0] =	vst v0  }
0x2b: {  	[tilespmem:$0x3000] =	vst v0  }
0x2c: {  	[tilespmem:$0x3010] =	vst v0  }
0x2d: {  	[tilespmem:$0x3020] =	vst v0  }
0x2e: {  	[tilespmem:$0x3030] =	vst v0  }
0x2f: {  	[tilespmem:$0x3040] =	vst v0  }
0x30: {  	[tilespmem:$0x3050] =	vst v0  }
0x31: {  	[tilespmem:$0x3060] =	vst v0  }
0x32: {  	[tilespmem:$0x3070] =	vst v0  }
0x33: {  	[tilespmem:$0x3080] =	vst v0  }
0x34: {  	[tilespmem:$0x3090] =	vst v0  }
0x35: {  	[tilespmem:$0x30A0] =	vst v0  }
0x36: {  	[tilespmem:$0x30B0] =	vst v0  }
0x37: {  	[tilespmem:$0x30C0] =	vst v0  }
0x38: {  	[tilespmem:$0x30D0] =	vst v0  }
0x39: {  	[tilespmem:$0x30E0] =	vst v0  }
0x3a: {  	[tilespmem:$0x30F0] =	vst v0  }
0x3b: {  	[tilespmem:$0x3100] =	vst v0  }
0x3c: {  	[tilespmem:$0x3110] =	vst v0  }
0x3d: {  	[tilespmem:$0x3120] =	vst v0  }
0x3e: {  	[tilespmem:$0x3130] =	vst v0  }
0x3f: {  	[tilespmem:$0x3140] =	vst v0  }
0x40: {  	s23 =	simm.s32 $0x40;
	s24 =	simm.s32 $0x0;
	[tilespmem:$0x3150] =	vst v0  }
.LBB2_2:
0x41: {  	p0 =	sne.s32 s23, $0x1F00;
	[tilespmem:s24+$0x2710] =	vst v1;
	s24 =	smov.u32 s23;
	s23 =	sadd.s32 $0x40, s23  }
.Ltmp0:
0x42: {  	(pc) =	sbr.rel @p0 .LBB2_2-.Ltmp0, $2  }
0x43: {  	_ =	sdelay $0x2  }
0x44: {  	s24 =	sshra.s32 s24, $0x2  }
0x45: {  	[tilespmem:s24+$0x2710] =	vst v1  }
0x46: {  	[tilespmem:$0x2ED0] =	vst v1  }
0x47: {  	[spmem:s9] =	stream.linear.scatter [tilespmem:s16], [sflag:$0x2], $0x280, $0x38;
	[tilespmem:$0x33E0] =	vst v63  }
0x48: {  	_ =	swait.ge [sflag:s17], $0x280  }
0x49: {  	[sflag:s17] =	ssyncset.done $0x0  }
0x4a: {  	[sflag:s17] =	ssyncadd.s32 $0xFFFFFD80  }
0x4b: {  	_ =	swait.ge [sflag:s18], $0x7D0  }
0x4c: {  	[sflag:s18] =	ssyncset.done $0x0  }
0x4d: {  	[sflag:s18] =	ssyncadd.s32 $0xFFFFF830  }
0x4e: {  	_ =	swait.ge [sflag:s18], $0x7D0  }
0x4f: {  	[sflag:s18] =	ssyncset.done $0x0  }
0x50: {  	[sflag:s18] =	ssyncadd.s32 $0xFFFFF830  }
0x51: {  	_ =	swait.ge [sflag:s18], $0x7D0  }
0x52: {  	[sflag:s18] =	ssyncset.done $0x0  }
0x53: {  	[sflag:s18] =	ssyncadd.s32 $0xFFFFF830  }
0x54: {  	_ =	swait.ge [sflag:s18], $0x7D0  }
0x55: {  	[sflag:s18] =	ssyncset.done $0x0  }
0x56: {  	[sflag:s18] =	ssyncadd.s32 $0xFFFFF830  }
0x57: {  	_ =	swait.ge [sflag:s18], $0x7D0  }
0x58: {  	[sflag:s18] =	ssyncset.done $0x0  }
0x59: {  	[sflag:s18] =	ssyncadd.s32 $0xFFFFF830  }
0x5a: {  	[bflag:$0x0] =	sbarrier.arrive $0xFFFF  }
0x5b: {  	[spmem:s2] =	stream.indirect.scatter.add.f32 [tilespmem:s19], [sflag:$0x2], $0x1, s3, s12, $0xb8;
	[tilespmem:$0x33E0] =	vst v63  }
0x5c: {  	_ =	swait.ge [sflag:s17], $0x7D0  }
0x5d: {  	[sflag:s17] =	ssyncset.done $0x0  }
0x5e: {  	[sflag:s17] =	ssyncadd.s32 $0xFFFFF830  }
0x5f: {  	[spmem:s2] =	stream.indirect.scatter.add.f32 [tilespmem:s19], [sflag:$0x2], $0x1, s12, s12, $0xb8;
	[tilespmem:$0x33E0] =	vst v63  }
0x60: {  	_ =	swait.ge [sflag:s17], $0x7D0  }
0x61: {  	[sflag:s17] =	ssyncset.done $0x0  }
0x62: {  	[sflag:s17] =	ssyncadd.s32 $0xFFFFF830  }
0x63: {  	[spmem:s2] =	stream.indirect.scatter.add.f32 [tilespmem:s19], [sflag:$0x2], $0x1, s13, s12, $0xb8;
	[tilespmem:$0x33E0] =	vst v63  }
0x64: {  	_ =	swait.ge [sflag:s17], $0x7D0  }
0x65: {  	[sflag:s17] =	ssyncset.done $0x0  }
0x66: {  	[sflag:s17] =	ssyncadd.s32 $0xFFFFF830  }
0x67: {  	[spmem:s2] =	stream.indirect.scatter.add.f32 [tilespmem:s19], [sflag:$0x2], $0x1, s14, s12, $0xb8;
	[tilespmem:$0x33E0] =	vst v63  }
0x68: {  	_ =	swait.ge [sflag:s17], $0x7D0  }
0x69: {  	[sflag:s17] =	ssyncset.done $0x0  }
0x6a: {  	[sflag:s17] =	ssyncadd.s32 $0xFFFFF830  }
0x6b: {  	[spmem:s2] =	stream.indirect.scatter.add.f32 [tilespmem:s19], [sflag:$0x2], $0x1, s15, s12, $0xb8;
	[tilespmem:$0x33E0] =	vst v63  }
0x6c: {  	_ =	swait.ge [sflag:s17], $0x7D0  }
0x6d: {  	s22 =	sadd.s32 $0x1, s22;
	[sflag:s17] =	ssyncset.done $0x0  }
0x6e: {  	p0 =	sne.s32 s22, s11;
	[sflag:s17] =	ssyncadd.s32 $0xFFFFF830  }
.Ltmp1:
0x6f: {  	[bflag:$0x0] =	sbarrier.arrive $0xFFFF;
	(pc) =	sbr.rel @p0 .LBB2_1-.Ltmp1, $4  }
0x70: {  	[hbm:s10], [sflag:s20] =	dma.local [spmem:s21], $0x50  }
0x71: {  	_ =	swait.ge [sflag:s17], $0x50  }
0x72: {  	[sflag:s17] =	ssyncset.done $0x0  }
0x73: {  	[sflag:s17] =	ssyncadd.s32 $0xFFFFFFB0  }
0x74: {  	_ =	sfence.sel $0x180000  }
0x75: {  	[bflag:$0x0] =	sbarrier.arrive $0xFFFF  }
0x76: {  	p0 =	sne.s32 s1, $0x0;
	_ =	strace $0x90000047  }
0x77: {  	s0 =	sadd.s32 @!p0 $0x100000, s0;
	[bflag:$0x2] =	sbarrier.arrive $0xFFFF  }
0x78: {  	[sflag:s0] =	ssyncadd.tile.s32 @!p0 $0x1;
	_ =	shalt  }
.Lfunc_end2:
_tile_overlayer_lowered:
.L_overlay_start_2:
0x79: {  	(tag) =	ssettag $0x2  }
0x7a: {  	s0 =	rddreg [dreg:$0x0];
	s2 =	stileid.u32  }
0x7b: {  	s1 =	rddreg [dreg:$0x1];
	p0 =	sne.s32 s2, $0x0  }
0x7c: {  	s3 =	rddreg [dreg:$0x2];
	[bflag:$0x3] =	sbarrier.arrive $0xFFFF;
	s2 =	simm.s32 @!p0 $0x1C02  }
0x7d: {  	[timem:s3], [sflag:s2] =	dma.local @!p0 [hbm:s0], s1  }
0x7e: {  	s0 =	simm.s32 @!p0 $0x2  }
0x7f: {  	_ =	swait.ge @!p0 [sflag:s0], s1  }
0x80: {  	s1 =	ssub.s32 @!p0 $0x0, s1;
	[sflag:s0] =	ssyncset.done @!p0 $0x0  }
0x81: {  	[sflag:s0] =	ssyncadd.s32 @!p0 s1  }
0x82: {  	[bflag:$0x3] =	sbarrier.arrive $0xFFFF  }
0x83: {  	_ =	shalt  }

</sc_bundles>
